<compile_context>
chip_gen: v7x
topology: tpu7x:2x2x1
jax: 0.10.2.dev20260603
libtpu: 0.0.44.dev20260713+nightly
codegen_flags: <defaults>
</compile_context>

<pallas_src>
import functools

import jax
import jax.numpy as jnp
from jax import lax
from jax.experimental import pallas as pl
from jax.experimental.pallas import tpu as pltpu
from jax.experimental.pallas import tpu_sc as plsc

BT = 512


@functools.lru_cache(maxsize=None)
def _make_row_gather(V, D, B):
    info = plsc.get_sparse_core_info()
    NC, NS = info.num_cores, info.num_subcores
    NW = NC * NS
    assert B % NW == 0
    b_per_w = B // NW
    C = next(c for c in (96, 80, 64, 48, 32, 16, 8) if b_per_w % c == 0)
    n_chunks = b_per_w // C
    mesh = plsc.VectorSubcoreMesh(core_axis_name="c", subcore_axis_name="s")

    @functools.partial(
        pl.kernel,
        mesh=mesh,
        out_type=jax.ShapeDtypeStruct((B, D), jnp.float32),
        scratch_types=[
            pltpu.VMEM((C,), jnp.int32),
            pltpu.VMEM((C, D), jnp.float32),
            pltpu.SemaphoreType.DMA,
        ],
    )
    def gather(table_hbm, idx_hbm, out_hbm, idx_v, rows_v, sem):
        wid = lax.axis_index("s") * NC + lax.axis_index("c")
        base = wid * b_per_w
        for c in range(n_chunks):
            off = base + c * C
            pltpu.sync_copy(idx_hbm.at[pl.ds(off, C)], idx_v)
            pltpu.async_copy(table_hbm.at[idx_v], rows_v, sem).wait()
            pltpu.sync_copy(rows_v, out_hbm.at[pl.ds(off, C)])

    return gather


def _ffn_body(eid_ref, nt_ref, x_ref, w13_ref, w2_ref, out_ref, *, I):
    t = pl.program_id(0)

    @pl.when(t < nt_ref[0])
    def _():
        xv = x_ref[...]
        dn = (((1,), (1,)), ((), ()))
        h1 = lax.dot_general(xv, w13_ref[0, :I, :], dn,
                             preferred_element_type=jnp.float32)
        h3 = lax.dot_general(xv, w13_ref[0, I:, :], dn,
                             preferred_element_type=jnp.float32)
        act = h1 * jax.nn.sigmoid(h1) * h3
        out_ref[...] = lax.dot_general(act, w2_ref[0], dn,
                                       preferred_element_type=jnp.float32)


def kernel(x, expert_indices, w13, w2):
    T, D = x.shape
    A = expert_indices.shape[1]
    E = w13.shape[0]
    I = w2.shape[2]
    N = T * A
    MAX_TILES = N // BT + E
    NP = MAX_TILES * BT

    idx_flat = expert_indices.reshape(N).astype(jnp.int32)
    counts = jnp.bincount(idx_flat, length=E).astype(jnp.int32)
    tiles_per_e = (counts + BT - 1) // BT
    cum_tiles = jnp.cumsum(tiles_per_e)
    padded_start = (cum_tiles - tiles_per_e) * BT
    orig_start = jnp.cumsum(counts) - counts
    order = jnp.argsort(idx_flat, stable=True)
    sorted_e = idx_flat[order]
    dest_row = padded_start[sorted_e] + (jnp.arange(N, dtype=jnp.int32)
                                         - orig_start[sorted_e])
    src_tok = (jnp.arange(NP, dtype=jnp.int32) % T).at[dest_row].set(
        (order // A).astype(jnp.int32))
    inv_row = jnp.zeros((N,), jnp.int32).at[order].set(dest_row)
    tile_eid = jnp.minimum(
        jnp.searchsorted(cum_tiles, jnp.arange(MAX_TILES, dtype=jnp.int32),
                         side="right"),
        E - 1).astype(jnp.int32)
    num_tiles = jnp.minimum(cum_tiles[-1], 8).astype(jnp.int32).reshape(1)

    x_s = _make_row_gather(T, D, NP)(x, src_tok)

    def _tmap(t, eid, nt):
        return (jnp.minimum(t, nt[0] - 1), 0)

    def _wmap(t, eid, nt):
        return (eid[jnp.minimum(t, nt[0] - 1)], 0, 0)

    y_s = pl.pallas_call(
        functools.partial(_ffn_body, I=I),
        grid_spec=pltpu.PrefetchScalarGridSpec(
            num_scalar_prefetch=2,
            grid=(MAX_TILES,),
            in_specs=[
                pl.BlockSpec((BT, D), _tmap),
                pl.BlockSpec((1, 2 * I, D), _wmap),
                pl.BlockSpec((1, D, I), _wmap),
            ],
            out_specs=pl.BlockSpec((BT, D), _tmap),
        ),
        out_shape=jax.ShapeDtypeStruct((NP, D), jnp.float32),
        compiler_params=pltpu.CompilerParams(
            dimension_semantics=("arbitrary",),
            vmem_limit_bytes=100 * 1024 * 1024),
    )(tile_eid, num_tiles, x_s, w13, w2)

    out_flat = _make_row_gather(NP, D, N)(y_s, inv_row)
    return out_flat.reshape(T, A, D)

# --- scband reference (transcript-rebuilt; emitter-appended) ---
"""Pipeline reference for scband-conditional-feed-forward-69449621176928 (READ-ONLY COPY).

The authoritative reference and input builder live on the scoring server;
editing this copy changes nothing except your own understanding.
"""

import jax, jax.numpy as jnp
import numpy as np

E = 8
DIM = 1024
INTER = 2048
T = 2048
A = 2


def setup_inputs(seed: int = 0) -> dict:
    key = jax.random.key(seed)
    k1, k2, k3, k4 = jax.random.split(key, 4)
    x = jax.random.normal(k1, (T, DIM), dtype=jnp.float32)
    expert_indices = jax.random.randint(k2, (T, A), 0, E)
    w13 = jax.random.normal(k3, (E, 2 * INTER, DIM), dtype=jnp.float32) * 0.02
    w2 = jax.random.normal(k4, (E, DIM, INTER), dtype=jnp.float32) * 0.02
    return {"x": x, "expert_indices": expert_indices, "w13": w13, "w2": w2}


def reference(x, expert_indices, w13, w2):
    # Faithful to the 'gpt-fast' branch semantics of ConditionalFeedForward:
    #   w13_weights = w13[expert_indices].transpose(-1, -2)    # [T, A, dim, 2I]
    #   x1, x3 = einsum('ti,taio->tao', x, w13_weights).chunk(2, dim=2)
    #   out = einsum('tao,taio->tai', silu(x1)*x3, w2[expert_indices])
    # Implemented as dense per-expert compute followed by a gather of the
    # per-(token, slot) expert output, which yields identical values without
    # materializing per-token gathered weight tensors.
    h = jnp.einsum('td,end->etn', x, w13)            # [E, T, 2I]
    x1, x3 = jnp.split(h, 2, axis=-1)                # each [E, T, I]
    act = jax.nn.silu(x1) * x3                       # [E, T, I]
    y = jnp.einsum('eti,edi->etd', act, w2)          # [E, T, dim]
    t_idx = jnp.arange(x.shape[0])
    out = y[expert_indices, t_idx[:, None], :]       # [T, A, dim]
    return out

if __name__ == "__main__":
    import jax
    _d = setup_inputs()
    print(jax.jit(kernel)(*tuple(_d.values())))

</pallas_src>

<mosaic_0001>
#map = affine_map<(d0, d1) -> (0, 0)>
#map1 = affine_map<(d0, d1) -> (0)>
module attributes {stable_mosaic.version = 14 : i64} {
  func.func @gather(%arg0: i32, %arg1: i32, %arg2: memref<2048x1024xf32, #tpu.memory_space<hbm>>, %arg3: memref<8192xi32, #tpu.memory_space<hbm>>, %arg4: memref<8192x1024xf32, #tpu.memory_space<hbm>>, %arg5: memref<64xi32, #tpu.memory_space<vmem>>, %arg6: memref<64x1024xf32, #tpu.memory_space<vmem>>, %arg7: memref<!tpu.dma_semaphore, #tpu.memory_space<semaphore_mem>>) attributes {dimension_semantics = [#tpu.dimension_semantics<core_parallel>, #tpu.dimension_semantics<subcore_parallel>], iteration_bounds = array<i64: 2, 16>, scalar_prefetch = 0 : i64, scratch_operands = 3 : i64, tpu.core_type = #tpu.core_type<sc_vector_subcore>, window_params = [{transform_indices = #map}, {transform_indices = #map1}, {transform_indices = #map}]} {
    %mul3A = arith.constant 2 : i32
    %mul3A_0 = arith.muli %arg1, %mul3A : i32
    %add3A = arith.addi %mul3A_0, %arg0 : i32
    %mul3A_1 = arith.constant 256 : i32
    %mul3A_2 = arith.muli %add3A, %mul3A_1 : i32
    %add3A_3 = arith.constant 0 : i32
    %add3A_4 = arith.addi %mul3A_2, %add3A_3 : i32
    "tpu.region"() ({
      %run_scoped3A = tpu.sem_alloc : memref<!tpu.dma_semaphore, #tpu.memory_space<semaphore_mem>>
      %dma_start3A_33 = tpu.memref_slice %arg3[%add3A_4] : memref<8192xi32, #tpu.memory_space<hbm>> -> memref<64xi32, #tpu.memory_space<hbm>>
      %dma_start3A_34 = tpu.memref_slice %arg3[%add3A_4] : memref<8192xi32, #tpu.memory_space<hbm>> -> memref<64xi32, #tpu.memory_space<hbm>>
      tpu.enqueue_dma source(%dma_start3A_34 : memref<64xi32, #tpu.memory_space<hbm>>) target(%arg5 : memref<64xi32, #tpu.memory_space<vmem>>) target_semaphore(%run_scoped3A : memref<!tpu.dma_semaphore, #tpu.memory_space<semaphore_mem>>)
      %dma_wait3A_35 = tpu.memref_slice %arg3[%add3A_4] : memref<8192xi32, #tpu.memory_space<hbm>> -> memref<64xi32, #tpu.memory_space<hbm>>
      %dma_wait3A_36 = tpu.memref_slice %arg3[%add3A_4] : memref<8192xi32, #tpu.memory_space<hbm>> -> memref<64xi32, #tpu.memory_space<hbm>>
      tpu.wait_dma2 semaphore(%run_scoped3A : memref<!tpu.dma_semaphore, #tpu.memory_space<semaphore_mem>>) src(%dma_wait3A_36 : memref<64xi32, #tpu.memory_space<hbm>>) dst(%arg5 : memref<64xi32, #tpu.memory_space<vmem>>)
      tpu.yield
    }) : () -> ()
    %dma_start3A = arith.constant 0 : i32
    %dma_start3A_5 = arith.constant 0 : i32
    %dma_start3A_6 = tpu.memref_slice %arg2[%dma_start3A, %dma_start3A_5] : memref<2048x1024xf32, #tpu.memory_space<hbm>> -> memref<2048x1024xf32, #tpu.memory_space<hbm>>
    tpu.enqueue_indirect_dma source(%dma_start3A_6 : memref<2048x1024xf32, #tpu.memory_space<hbm>>) target(%arg6 : memref<64x1024xf32, #tpu.memory_space<vmem>>) offsets(%arg5 : memref<64xi32, #tpu.memory_space<vmem>>) semaphore(%arg7 : memref<!tpu.dma_semaphore, #tpu.memory_space<semaphore_mem>>)
    %dma_wait3A = arith.constant 0 : i32
    %dma_wait3A_7 = arith.constant 0 : i32
    %dma_wait3A_8 = tpu.memref_slice %arg2[%dma_wait3A, %dma_wait3A_7] : memref<2048x1024xf32, #tpu.memory_space<hbm>> -> memref<2048x1024xf32, #tpu.memory_space<hbm>>
    tpu.wait_indirect_dma semaphore(%arg7 : memref<!tpu.dma_semaphore, #tpu.memory_space<semaphore_mem>>) src(%dma_wait3A_8 : memref<2048x1024xf32, #tpu.memory_space<hbm>>) dst(%arg6 : memref<64x1024xf32, #tpu.memory_space<vmem>>)
    "tpu.region"() ({
      %run_scoped3A = tpu.sem_alloc : memref<!tpu.dma_semaphore, #tpu.memory_space<semaphore_mem>>
      %dma_start3A_33 = arith.constant 0 : i32
      %dma_start3A_34 = tpu.memref_slice %arg4[%add3A_4, %dma_start3A_33] : memref<8192x1024xf32, #tpu.memory_space<hbm>> -> memref<64x1024xf32, #tpu.memory_space<hbm>>
      %dma_start3A_35 = arith.constant 0 : i32
      %dma_start3A_36 = tpu.memref_slice %arg4[%add3A_4, %dma_start3A_35] : memref<8192x1024xf32, #tpu.memory_space<hbm>> -> memref<64x1024xf32, #tpu.memory_space<hbm>>
      tpu.enqueue_dma source(%arg6 : memref<64x1024xf32, #tpu.memory_space<vmem>>) target(%dma_start3A_36 : memref<64x1024xf32, #tpu.memory_space<hbm>>) target_semaphore(%run_scoped3A : memref<!tpu.dma_semaphore, #tpu.memory_space<semaphore_mem>>)
      %dma_wait3A_37 = arith.constant 0 : i32
      %dma_wait3A_38 = tpu.memref_slice %arg4[%add3A_4, %dma_wait3A_37] : memref<8192x1024xf32, #tpu.memory_space<hbm>> -> memref<64x1024xf32, #tpu.memory_space<hbm>>
      %dma_wait3A_39 = arith.constant 0 : i32
      %dma_wait3A_40 = tpu.memref_slice %arg4[%add3A_4, %dma_wait3A_39] : memref<8192x1024xf32, #tpu.memory_space<hbm>> -> memref<64x1024xf32, #tpu.memory_space<hbm>>
      tpu.wait_dma2 semaphore(%run_scoped3A : memref<!tpu.dma_semaphore, #tpu.memory_space<semaphore_mem>>) src(%arg6 : memref<64x1024xf32, #tpu.memory_space<vmem>>) dst(%dma_wait3A_40 : memref<64x1024xf32, #tpu.memory_space<hbm>>)
      tpu.yield
    }) : () -> ()
    %add3A_9 = arith.constant 64 : i32
    %add3A_10 = arith.addi %mul3A_2, %add3A_9 : i32
    "tpu.region"() ({
      %run_scoped3A = tpu.sem_alloc : memref<!tpu.dma_semaphore, #tpu.memory_space<semaphore_mem>>
      %dma_start3A_33 = tpu.memref_slice %arg3[%add3A_10] : memref<8192xi32, #tpu.memory_space<hbm>> -> memref<64xi32, #tpu.memory_space<hbm>>
      %dma_start3A_34 = tpu.memref_slice %arg3[%add3A_10] : memref<8192xi32, #tpu.memory_space<hbm>> -> memref<64xi32, #tpu.memory_space<hbm>>
      tpu.enqueue_dma source(%dma_start3A_34 : memref<64xi32, #tpu.memory_space<hbm>>) target(%arg5 : memref<64xi32, #tpu.memory_space<vmem>>) target_semaphore(%run_scoped3A : memref<!tpu.dma_semaphore, #tpu.memory_space<semaphore_mem>>)
      %dma_wait3A_35 = tpu.memref_slice %arg3[%add3A_10] : memref<8192xi32, #tpu.memory_space<hbm>> -> memref<64xi32, #tpu.memory_space<hbm>>
      %dma_wait3A_36 = tpu.memref_slice %arg3[%add3A_10] : memref<8192xi32, #tpu.memory_space<hbm>> -> memref<64xi32, #tpu.memory_space<hbm>>
      tpu.wait_dma2 semaphore(%run_scoped3A : memref<!tpu.dma_semaphore, #tpu.memory_space<semaphore_mem>>) src(%dma_wait3A_36 : memref<64xi32, #tpu.memory_space<hbm>>) dst(%arg5 : memref<64xi32, #tpu.memory_space<vmem>>)
      tpu.yield
    }) : () -> ()
    %dma_start3A_11 = arith.constant 0 : i32
    %dma_start3A_12 = arith.constant 0 : i32
    %dma_start3A_13 = tpu.memref_slice %arg2[%dma_start3A_11, %dma_start3A_12] : memref<2048x1024xf32, #tpu.memory_space<hbm>> -> memref<2048x1024xf32, #tpu.memory_space<hbm>>
    tpu.enqueue_indirect_dma source(%dma_start3A_13 : memref<2048x1024xf32, #tpu.memory_space<hbm>>) target(%arg6 : memref<64x1024xf32, #tpu.memory_space<vmem>>) offsets(%arg5 : memref<64xi32, #tpu.memory_space<vmem>>) semaphore(%arg7 : memref<!tpu.dma_semaphore, #tpu.memory_space<semaphore_mem>>)
    %dma_wait3A_14 = arith.constant 0 : i32
    %dma_wait3A_15 = arith.constant 0 : i32
    %dma_wait3A_16 = tpu.memref_slice %arg2[%dma_wait3A_14, %dma_wait3A_15] : memref<2048x1024xf32, #tpu.memory_space<hbm>> -> memref<2048x1024xf32, #tpu.memory_space<hbm>>
    tpu.wait_indirect_dma semaphore(%arg7 : memref<!tpu.dma_semaphore, #tpu.memory_space<semaphore_mem>>) src(%dma_wait3A_16 : memref<2048x1024xf32, #tpu.memory_space<hbm>>) dst(%arg6 : memref<64x1024xf32, #tpu.memory_space<vmem>>)
    "tpu.region"() ({
      %run_scoped3A = tpu.sem_alloc : memref<!tpu.dma_semaphore, #tpu.memory_space<semaphore_mem>>
      %dma_start3A_33 = arith.constant 0 : i32
      %dma_start3A_34 = tpu.memref_slice %arg4[%add3A_10, %dma_start3A_33] : memref<8192x1024xf32, #tpu.memory_space<hbm>> -> memref<64x1024xf32, #tpu.memory_space<hbm>>
      %dma_start3A_35 = arith.constant 0 : i32
      %dma_start3A_36 = tpu.memref_slice %arg4[%add3A_10, %dma_start3A_35] : memref<8192x1024xf32, #tpu.memory_space<hbm>> -> memref<64x1024xf32, #tpu.memory_space<hbm>>
      tpu.enqueue_dma source(%arg6 : memref<64x1024xf32, #tpu.memory_space<vmem>>) target(%dma_start3A_36 : memref<64x1024xf32, #tpu.memory_space<hbm>>) target_semaphore(%run_scoped3A : memref<!tpu.dma_semaphore, #tpu.memory_space<semaphore_mem>>)
      %dma_wait3A_37 = arith.constant 0 : i32
      %dma_wait3A_38 = tpu.memref_slice %arg4[%add3A_10, %dma_wait3A_37] : memref<8192x1024xf32, #tpu.memory_space<hbm>> -> memref<64x1024xf32, #tpu.memory_space<hbm>>
      %dma_wait3A_39 = arith.constant 0 : i32
      %dma_wait3A_40 = tpu.memref_slice %arg4[%add3A_10, %dma_wait3A_39] : memref<8192x1024xf32, #tpu.memory_space<hbm>> -> memref<64x1024xf32, #tpu.memory_space<hbm>>
      tpu.wait_dma2 semaphore(%run_scoped3A : memref<!tpu.dma_semaphore, #tpu.memory_space<semaphore_mem>>) src(%arg6 : memref<64x1024xf32, #tpu.memory_space<vmem>>) dst(%dma_wait3A_40 : memref<64x1024xf32, #tpu.memory_space<hbm>>)
      tpu.yield
    }) : () -> ()
    %add3A_17 = arith.constant 128 : i32
    %add3A_18 = arith.addi %mul3A_2, %add3A_17 : i32
    "tpu.region"() ({
      %run_scoped3A = tpu.sem_alloc : memref<!tpu.dma_semaphore, #tpu.memory_space<semaphore_mem>>
      %dma_start3A_33 = tpu.memref_slice %arg3[%add3A_18] : memref<8192xi32, #tpu.memory_space<hbm>> -> memref<64xi32, #tpu.memory_space<hbm>>
      %dma_start3A_34 = tpu.memref_slice %arg3[%add3A_18] : memref<8192xi32, #tpu.memory_space<hbm>> -> memref<64xi32, #tpu.memory_space<hbm>>
      tpu.enqueue_dma source(%dma_start3A_34 : memref<64xi32, #tpu.memory_space<hbm>>) target(%arg5 : memref<64xi32, #tpu.memory_space<vmem>>) target_semaphore(%run_scoped3A : memref<!tpu.dma_semaphore, #tpu.memory_space<semaphore_mem>>)
      %dma_wait3A_35 = tpu.memref_slice %arg3[%add3A_18] : memref<8192xi32, #tpu.memory_space<hbm>> -> memref<64xi32, #tpu.memory_space<hbm>>
      %dma_wait3A_36 = tpu.memref_slice %arg3[%add3A_18] : memref<8192xi32, #tpu.memory_space<hbm>> -> memref<64xi32, #tpu.memory_space<hbm>>
      tpu.wait_dma2 semaphore(%run_scoped3A : memref<!tpu.dma_semaphore, #tpu.memory_space<semaphore_mem>>) src(%dma_wait3A_36 : memref<64xi32, #tpu.memory_space<hbm>>) dst(%arg5 : memref<64xi32, #tpu.memory_space<vmem>>)
      tpu.yield
    }) : () -> ()
    %dma_start3A_19 = arith.constant 0 : i32
    %dma_start3A_20 = arith.constant 0 : i32
    %dma_start3A_21 = tpu.memref_slice %arg2[%dma_start3A_19, %dma_start3A_20] : memref<2048x1024xf32, #tpu.memory_space<hbm>> -> memref<2048x1024xf32, #tpu.memory_space<hbm>>
    tpu.enqueue_indirect_dma source(%dma_start3A_21 : memref<2048x1024xf32, #tpu.memory_space<hbm>>) target(%arg6 : memref<64x1024xf32, #tpu.memory_space<vmem>>) offsets(%arg5 : memref<64xi32, #tpu.memory_space<vmem>>) semaphore(%arg7 : memref<!tpu.dma_semaphore, #tpu.memory_space<semaphore_mem>>)
    %dma_wait3A_22 = arith.constant 0 : i32
    %dma_wait3A_23 = arith.constant 0 : i32
    %dma_wait3A_24 = tpu.memref_slice %arg2[%dma_wait3A_22, %dma_wait3A_23] : memref<2048x1024xf32, #tpu.memory_space<hbm>> -> memref<2048x1024xf32, #tpu.memory_space<hbm>>
    tpu.wait_indirect_dma semaphore(%arg7 : memref<!tpu.dma_semaphore, #tpu.memory_space<semaphore_mem>>) src(%dma_wait3A_24 : memref<2048x1024xf32, #tpu.memory_space<hbm>>) dst(%arg6 : memref<64x1024xf32, #tpu.memory_space<vmem>>)
    "tpu.region"() ({
      %run_scoped3A = tpu.sem_alloc : memref<!tpu.dma_semaphore, #tpu.memory_space<semaphore_mem>>
      %dma_start3A_33 = arith.constant 0 : i32
      %dma_start3A_34 = tpu.memref_slice %arg4[%add3A_18, %dma_start3A_33] : memref<8192x1024xf32, #tpu.memory_space<hbm>> -> memref<64x1024xf32, #tpu.memory_space<hbm>>
      %dma_start3A_35 = arith.constant 0 : i32
      %dma_start3A_36 = tpu.memref_slice %arg4[%add3A_18, %dma_start3A_35] : memref<8192x1024xf32, #tpu.memory_space<hbm>> -> memref<64x1024xf32, #tpu.memory_space<hbm>>
      tpu.enqueue_dma source(%arg6 : memref<64x1024xf32, #tpu.memory_space<vmem>>) target(%dma_start3A_36 : memref<64x1024xf32, #tpu.memory_space<hbm>>) target_semaphore(%run_scoped3A : memref<!tpu.dma_semaphore, #tpu.memory_space<semaphore_mem>>)
      %dma_wait3A_37 = arith.constant 0 : i32
      %dma_wait3A_38 = tpu.memref_slice %arg4[%add3A_18, %dma_wait3A_37] : memref<8192x1024xf32, #tpu.memory_space<hbm>> -> memref<64x1024xf32, #tpu.memory_space<hbm>>
      %dma_wait3A_39 = arith.constant 0 : i32
      %dma_wait3A_40 = tpu.memref_slice %arg4[%add3A_18, %dma_wait3A_39] : memref<8192x1024xf32, #tpu.memory_space<hbm>> -> memref<64x1024xf32, #tpu.memory_space<hbm>>
      tpu.wait_dma2 semaphore(%run_scoped3A : memref<!tpu.dma_semaphore, #tpu.memory_space<semaphore_mem>>) src(%arg6 : memref<64x1024xf32, #tpu.memory_space<vmem>>) dst(%dma_wait3A_40 : memref<64x1024xf32, #tpu.memory_space<hbm>>)
      tpu.yield
    }) : () -> ()
    %add3A_25 = arith.constant 192 : i32
    %add3A_26 = arith.addi %mul3A_2, %add3A_25 : i32
    "tpu.region"() ({
      %run_scoped3A = tpu.sem_alloc : memref<!tpu.dma_semaphore, #tpu.memory_space<semaphore_mem>>
      %dma_start3A_33 = tpu.memref_slice %arg3[%add3A_26] : memref<8192xi32, #tpu.memory_space<hbm>> -> memref<64xi32, #tpu.memory_space<hbm>>
      %dma_start3A_34 = tpu.memref_slice %arg3[%add3A_26] : memref<8192xi32, #tpu.memory_space<hbm>> -> memref<64xi32, #tpu.memory_space<hbm>>
      tpu.enqueue_dma source(%dma_start3A_34 : memref<64xi32, #tpu.memory_space<hbm>>) target(%arg5 : memref<64xi32, #tpu.memory_space<vmem>>) target_semaphore(%run_scoped3A : memref<!tpu.dma_semaphore, #tpu.memory_space<semaphore_mem>>)
      %dma_wait3A_35 = tpu.memref_slice %arg3[%add3A_26] : memref<8192xi32, #tpu.memory_space<hbm>> -> memref<64xi32, #tpu.memory_space<hbm>>
      %dma_wait3A_36 = tpu.memref_slice %arg3[%add3A_26] : memref<8192xi32, #tpu.memory_space<hbm>> -> memref<64xi32, #tpu.memory_space<hbm>>
      tpu.wait_dma2 semaphore(%run_scoped3A : memref<!tpu.dma_semaphore, #tpu.memory_space<semaphore_mem>>) src(%dma_wait3A_36 : memref<64xi32, #tpu.memory_space<hbm>>) dst(%arg5 : memref<64xi32, #tpu.memory_space<vmem>>)
      tpu.yield
    }) : () -> ()
    %dma_start3A_27 = arith.constant 0 : i32
    %dma_start3A_28 = arith.constant 0 : i32
    %dma_start3A_29 = tpu.memref_slice %arg2[%dma_start3A_27, %dma_start3A_28] : memref<2048x1024xf32, #tpu.memory_space<hbm>> -> memref<2048x1024xf32, #tpu.memory_space<hbm>>
    tpu.enqueue_indirect_dma source(%dma_start3A_29 : memref<2048x1024xf32, #tpu.memory_space<hbm>>) target(%arg6 : memref<64x1024xf32, #tpu.memory_space<vmem>>) offsets(%arg5 : memref<64xi32, #tpu.memory_space<vmem>>) semaphore(%arg7 : memref<!tpu.dma_semaphore, #tpu.memory_space<semaphore_mem>>)
    %dma_wait3A_30 = arith.constant 0 : i32
    %dma_wait3A_31 = arith.constant 0 : i32
    %dma_wait3A_32 = tpu.memref_slice %arg2[%dma_wait3A_30, %dma_wait3A_31] : memref<2048x1024xf32, #tpu.memory_space<hbm>> -> memref<2048x1024xf32, #tpu.memory_space<hbm>>
    tpu.wait_indirect_dma semaphore(%arg7 : memref<!tpu.dma_semaphore, #tpu.memory_space<semaphore_mem>>) src(%dma_wait3A_32 : memref<2048x1024xf32, #tpu.memory_space<hbm>>) dst(%arg6 : memref<64x1024xf32, #tpu.memory_space<vmem>>)
    "tpu.region"() ({
      %run_scoped3A = tpu.sem_alloc : memref<!tpu.dma_semaphore, #tpu.memory_space<semaphore_mem>>
      %dma_start3A_33 = arith.constant 0 : i32
      %dma_start3A_34 = tpu.memref_slice %arg4[%add3A_26, %dma_start3A_33] : memref<8192x1024xf32, #tpu.memory_space<hbm>> -> memref<64x1024xf32, #tpu.memory_space<hbm>>
      %dma_start3A_35 = arith.constant 0 : i32
      %dma_start3A_36 = tpu.memref_slice %arg4[%add3A_26, %dma_start3A_35] : memref<8192x1024xf32, #tpu.memory_space<hbm>> -> memref<64x1024xf32, #tpu.memory_space<hbm>>
      tpu.enqueue_dma source(%arg6 : memref<64x1024xf32, #tpu.memory_space<vmem>>) target(%dma_start3A_36 : memref<64x1024xf32, #tpu.memory_space<hbm>>) target_semaphore(%run_scoped3A : memref<!tpu.dma_semaphore, #tpu.memory_space<semaphore_mem>>)
      %dma_wait3A_37 = arith.constant 0 : i32
      %dma_wait3A_38 = tpu.memref_slice %arg4[%add3A_26, %dma_wait3A_37] : memref<8192x1024xf32, #tpu.memory_space<hbm>> -> memref<64x1024xf32, #tpu.memory_space<hbm>>
      %dma_wait3A_39 = arith.constant 0 : i32
      %dma_wait3A_40 = tpu.memref_slice %arg4[%add3A_26, %dma_wait3A_39] : memref<8192x1024xf32, #tpu.memory_space<hbm>> -> memref<64x1024xf32, #tpu.memory_space<hbm>>
      tpu.wait_dma2 semaphore(%run_scoped3A : memref<!tpu.dma_semaphore, #tpu.memory_space<semaphore_mem>>) src(%arg6 : memref<64x1024xf32, #tpu.memory_space<vmem>>) dst(%dma_wait3A_40 : memref<64x1024xf32, #tpu.memory_space<hbm>>)
      tpu.yield
    }) : () -> ()
    return
  }
}

#map = affine_map<(d0, d1) -> (0, 0)>
#map1 = affine_map<(d0, d1) -> (0)>
module attributes {stable_mosaic.version = 14 : i64} {
  func.func @gather(%arg0: i32, %arg1: i32, %arg2: memref<8192x1024xf32, #tpu.memory_space<hbm>>, %arg3: memref<4096xi32, #tpu.memory_space<hbm>>, %arg4: memref<4096x1024xf32, #tpu.memory_space<hbm>>, %arg5: memref<64xi32, #tpu.memory_space<vmem>>, %arg6: memref<64x1024xf32, #tpu.memory_space<vmem>>, %arg7: memref<!tpu.dma_semaphore, #tpu.memory_space<semaphore_mem>>) attributes {dimension_semantics = [#tpu.dimension_semantics<core_parallel>, #tpu.dimension_semantics<subcore_parallel>], iteration_bounds = array<i64: 2, 16>, scalar_prefetch = 0 : i64, scratch_operands = 3 : i64, tpu.core_type = #tpu.core_type<sc_vector_subcore>, window_params = [{transform_indices = #map}, {transform_indices = #map1}, {transform_indices = #map}]} {
    %mul3A = arith.constant 2 : i32
    %mul3A_0 = arith.muli %arg1, %mul3A : i32
    %add3A = arith.addi %mul3A_0, %arg0 : i32
    %mul3A_1 = arith.constant 128 : i32
    %mul3A_2 = arith.muli %add3A, %mul3A_1 : i32
    %add3A_3 = arith.constant 0 : i32
    %add3A_4 = arith.addi %mul3A_2, %add3A_3 : i32
    "tpu.region"() ({
      %run_scoped3A = tpu.sem_alloc : memref<!tpu.dma_semaphore, #tpu.memory_space<semaphore_mem>>
      %dma_start3A_17 = tpu.memref_slice %arg3[%add3A_4] : memref<4096xi32, #tpu.memory_space<hbm>> -> memref<64xi32, #tpu.memory_space<hbm>>
      %dma_start3A_18 = tpu.memref_slice %arg3[%add3A_4] : memref<4096xi32, #tpu.memory_space<hbm>> -> memref<64xi32, #tpu.memory_space<hbm>>
      tpu.enqueue_dma source(%dma_start3A_18 : memref<64xi32, #tpu.memory_space<hbm>>) target(%arg5 : memref<64xi32, #tpu.memory_space<vmem>>) target_semaphore(%run_scoped3A : memref<!tpu.dma_semaphore, #tpu.memory_space<semaphore_mem>>)
      %dma_wait3A_19 = tpu.memref_slice %arg3[%add3A_4] : memref<4096xi32, #tpu.memory_space<hbm>> -> memref<64xi32, #tpu.memory_space<hbm>>
      %dma_wait3A_20 = tpu.memref_slice %arg3[%add3A_4] : memref<4096xi32, #tpu.memory_space<hbm>> -> memref<64xi32, #tpu.memory_space<hbm>>
      tpu.wait_dma2 semaphore(%run_scoped3A : memref<!tpu.dma_semaphore, #tpu.memory_space<semaphore_mem>>) src(%dma_wait3A_20 : memref<64xi32, #tpu.memory_space<hbm>>) dst(%arg5 : memref<64xi32, #tpu.memory_space<vmem>>)
      tpu.yield
    }) : () -> ()
    %dma_start3A = arith.constant 0 : i32
    %dma_start3A_5 = arith.constant 0 : i32
    %dma_start3A_6 = tpu.memref_slice %arg2[%dma_start3A, %dma_start3A_5] : memref<8192x1024xf32, #tpu.memory_space<hbm>> -> memref<8192x1024xf32, #tpu.memory_space<hbm>>
    tpu.enqueue_indirect_dma source(%dma_start3A_6 : memref<8192x1024xf32, #tpu.memory_space<hbm>>) target(%arg6 : memref<64x1024xf32, #tpu.memory_space<vmem>>) offsets(%arg5 : memref<64xi32, #tpu.memory_space<vmem>>) semaphore(%arg7 : memref<!tpu.dma_semaphore, #tpu.memory_space<semaphore_mem>>)
    %dma_wait3A = arith.constant 0 : i32
    %dma_wait3A_7 = arith.constant 0 : i32
    %dma_wait3A_8 = tpu.memref_slice %arg2[%dma_wait3A, %dma_wait3A_7] : memref<8192x1024xf32, #tpu.memory_space<hbm>> -> memref<8192x1024xf32, #tpu.memory_space<hbm>>
    tpu.wait_indirect_dma semaphore(%arg7 : memref<!tpu.dma_semaphore, #tpu.memory_space<semaphore_mem>>) src(%dma_wait3A_8 : memref<8192x1024xf32, #tpu.memory_space<hbm>>) dst(%arg6 : memref<64x1024xf32, #tpu.memory_space<vmem>>)
    "tpu.region"() ({
      %run_scoped3A = tpu.sem_alloc : memref<!tpu.dma_semaphore, #tpu.memory_space<semaphore_mem>>
      %dma_start3A_17 = arith.constant 0 : i32
      %dma_start3A_18 = tpu.memref_slice %arg4[%add3A_4, %dma_start3A_17] : memref<4096x1024xf32, #tpu.memory_space<hbm>> -> memref<64x1024xf32, #tpu.memory_space<hbm>>
      %dma_start3A_19 = arith.constant 0 : i32
      %dma_start3A_20 = tpu.memref_slice %arg4[%add3A_4, %dma_start3A_19] : memref<4096x1024xf32, #tpu.memory_space<hbm>> -> memref<64x1024xf32, #tpu.memory_space<hbm>>
      tpu.enqueue_dma source(%arg6 : memref<64x1024xf32, #tpu.memory_space<vmem>>) target(%dma_start3A_20 : memref<64x1024xf32, #tpu.memory_space<hbm>>) target_semaphore(%run_scoped3A : memref<!tpu.dma_semaphore, #tpu.memory_space<semaphore_mem>>)
      %dma_wait3A_21 = arith.constant 0 : i32
      %dma_wait3A_22 = tpu.memref_slice %arg4[%add3A_4, %dma_wait3A_21] : memref<4096x1024xf32, #tpu.memory_space<hbm>> -> memref<64x1024xf32, #tpu.memory_space<hbm>>
      %dma_wait3A_23 = arith.constant 0 : i32
      %dma_wait3A_24 = tpu.memref_slice %arg4[%add3A_4, %dma_wait3A_23] : memref<4096x1024xf32, #tpu.memory_space<hbm>> -> memref<64x1024xf32, #tpu.memory_space<hbm>>
      tpu.wait_dma2 semaphore(%run_scoped3A : memref<!tpu.dma_semaphore, #tpu.memory_space<semaphore_mem>>) src(%arg6 : memref<64x1024xf32, #tpu.memory_space<vmem>>) dst(%dma_wait3A_24 : memref<64x1024xf32, #tpu.memory_space<hbm>>)
      tpu.yield
    }) : () -> ()
    %add3A_9 = arith.constant 64 : i32
    %add3A_10 = arith.addi %mul3A_2, %add3A_9 : i32
    "tpu.region"() ({
      %run_scoped3A = tpu.sem_alloc : memref<!tpu.dma_semaphore, #tpu.memory_space<semaphore_mem>>
      %dma_start3A_17 = tpu.memref_slice %arg3[%add3A_10] : memref<4096xi32, #tpu.memory_space<hbm>> -> memref<64xi32, #tpu.memory_space<hbm>>
      %dma_start3A_18 = tpu.memref_slice %arg3[%add3A_10] : memref<4096xi32, #tpu.memory_space<hbm>> -> memref<64xi32, #tpu.memory_space<hbm>>
      tpu.enqueue_dma source(%dma_start3A_18 : memref<64xi32, #tpu.memory_space<hbm>>) target(%arg5 : memref<64xi32, #tpu.memory_space<vmem>>) target_semaphore(%run_scoped3A : memref<!tpu.dma_semaphore, #tpu.memory_space<semaphore_mem>>)
      %dma_wait3A_19 = tpu.memref_slice %arg3[%add3A_10] : memref<4096xi32, #tpu.memory_space<hbm>> -> memref<64xi32, #tpu.memory_space<hbm>>
      %dma_wait3A_20 = tpu.memref_slice %arg3[%add3A_10] : memref<4096xi32, #tpu.memory_space<hbm>> -> memref<64xi32, #tpu.memory_space<hbm>>
      tpu.wait_dma2 semaphore(%run_scoped3A : memref<!tpu.dma_semaphore, #tpu.memory_space<semaphore_mem>>) src(%dma_wait3A_20 : memref<64xi32, #tpu.memory_space<hbm>>) dst(%arg5 : memref<64xi32, #tpu.memory_space<vmem>>)
      tpu.yield
    }) : () -> ()
    %dma_start3A_11 = arith.constant 0 : i32
    %dma_start3A_12 = arith.constant 0 : i32
    %dma_start3A_13 = tpu.memref_slice %arg2[%dma_start3A_11, %dma_start3A_12] : memref<8192x1024xf32, #tpu.memory_space<hbm>> -> memref<8192x1024xf32, #tpu.memory_space<hbm>>
    tpu.enqueue_indirect_dma source(%dma_start3A_13 : memref<8192x1024xf32, #tpu.memory_space<hbm>>) target(%arg6 : memref<64x1024xf32, #tpu.memory_space<vmem>>) offsets(%arg5 : memref<64xi32, #tpu.memory_space<vmem>>) semaphore(%arg7 : memref<!tpu.dma_semaphore, #tpu.memory_space<semaphore_mem>>)
    %dma_wait3A_14 = arith.constant 0 : i32
    %dma_wait3A_15 = arith.constant 0 : i32
    %dma_wait3A_16 = tpu.memref_slice %arg2[%dma_wait3A_14, %dma_wait3A_15] : memref<8192x1024xf32, #tpu.memory_space<hbm>> -> memref<8192x1024xf32, #tpu.memory_space<hbm>>
    tpu.wait_indirect_dma semaphore(%arg7 : memref<!tpu.dma_semaphore, #tpu.memory_space<semaphore_mem>>) src(%dma_wait3A_16 : memref<8192x1024xf32, #tpu.memory_space<hbm>>) dst(%arg6 : memref<64x1024xf32, #tpu.memory_space<vmem>>)
    "tpu.region"() ({
      %run_scoped3A = tpu.sem_alloc : memref<!tpu.dma_semaphore, #tpu.memory_space<semaphore_mem>>
      %dma_start3A_17 = arith.constant 0 : i32
      %dma_start3A_18 = tpu.memref_slice %arg4[%add3A_10, %dma_start3A_17] : memref<4096x1024xf32, #tpu.memory_space<hbm>> -> memref<64x1024xf32, #tpu.memory_space<hbm>>
      %dma_start3A_19 = arith.constant 0 : i32
      %dma_start3A_20 = tpu.memref_slice %arg4[%add3A_10, %dma_start3A_19] : memref<4096x1024xf32, #tpu.memory_space<hbm>> -> memref<64x1024xf32, #tpu.memory_space<hbm>>
      tpu.enqueue_dma source(%arg6 : memref<64x1024xf32, #tpu.memory_space<vmem>>) target(%dma_start3A_20 : memref<64x1024xf32, #tpu.memory_space<hbm>>) target_semaphore(%run_scoped3A : memref<!tpu.dma_semaphore, #tpu.memory_space<semaphore_mem>>)
      %dma_wait3A_21 = arith.constant 0 : i32
      %dma_wait3A_22 = tpu.memref_slice %arg4[%add3A_10, %dma_wait3A_21] : memref<4096x1024xf32, #tpu.memory_space<hbm>> -> memref<64x1024xf32, #tpu.memory_space<hbm>>
      %dma_wait3A_23 = arith.constant 0 : i32
      %dma_wait3A_24 = tpu.memref_slice %arg4[%add3A_10, %dma_wait3A_23] : memref<4096x1024xf32, #tpu.memory_space<hbm>> -> memref<64x1024xf32, #tpu.memory_space<hbm>>
      tpu.wait_dma2 semaphore(%run_scoped3A : memref<!tpu.dma_semaphore, #tpu.memory_space<semaphore_mem>>) src(%arg6 : memref<64x1024xf32, #tpu.memory_space<vmem>>) dst(%dma_wait3A_24 : memref<64x1024xf32, #tpu.memory_space<hbm>>)
      tpu.yield
    }) : () -> ()
    return
  }
}

module attributes {stable_mosaic.version = 14 : i64} {
  func.func @_ffn_body(%arg0: i32, %arg1: memref<16xi32, #tpu.memory_space<smem>>, %arg2: memref<1xi32, #tpu.memory_space<smem>>, %arg3: memref<512x1024xf32, #tpu.memory_space<vmem>>, %arg4: memref<1x4096x1024xf32, #tpu.memory_space<vmem>>, %arg5: memref<1x1024x2048xf32, #tpu.memory_space<vmem>>, %arg6: memref<512x1024xf32, #tpu.memory_space<vmem>>) attributes {dimension_semantics = [#tpu.dimension_semantics<arbitrary>], iteration_bounds = array<i64: 16>, scalar_prefetch = 2 : i64, scratch_operands = 0 : i64, tpu.core_type = #tpu.core_type<tc>, window_params = [{transform_indices = @transform_0, window_bounds = array<i64: 512, 1024>}, {transform_indices = @transform_1, window_bounds = array<i64: 1, 4096, 1024>}, {transform_indices = @transform_2, window_bounds = array<i64: 1, 1024, 2048>}, {transform_indices = @transform_3, window_bounds = array<i64: 512, 1024>}]} {
    %get3A = arith.constant 0 : index
    %get3A_0 = memref.load %arg2[%get3A] : memref<1xi32, #tpu.memory_space<smem>>
    %lt3A = arith.cmpi slt, %arg0, %get3A_0 : i32
    %convert_element_type3A = arith.extui %lt3A : i1 to i32
    %cond3A = arith.constant 0 : i32
    %cond3A_1 = arith.cmpi ne, %convert_element_type3A, %cond3A : i32
    scf.if %cond3A_1 {
      %get3A_2 = arith.constant 0 : index
      %get3A_3 = arith.constant 0 : index
      %get3A_4 = vector.load %arg3[%get3A_2, %get3A_3] : memref<512x1024xf32, #tpu.memory_space<vmem>>, vector<512x1024xf32>
      %get3A_5 = arith.constant 0 : index
      %get3A_6 = arith.constant 0 : index
      %get3A_7 = arith.constant 0 : index
      %get3A_8 = vector.load %arg4[%get3A_5, %get3A_6, %get3A_7] : memref<1x4096x1024xf32, #tpu.memory_space<vmem>>, vector<1x2048x1024xf32>
      %get3A_9 = vector.shape_cast %get3A_8 : vector<1x2048x1024xf32> to vector<2048x1024xf32>
      %dot_general3A = arith.constant dense<0.000000e+00> : vector<512x2048xf32>
      %dot_general3A_10 = tpu.matmul %get3A_4, %get3A_9, %dot_general3A {dimension_numbers = #tpu.dot_dimension_numbers<[1], [1], [0], [0], [0, 0, 1, 0], [], []>, transpose_lhs_hint = false} : vector<512x1024xf32>, vector<2048x1024xf32>, vector<512x2048xf32> -> vector<512x2048xf32>
      %get3A_11 = arith.constant 0 : index
      %get3A_12 = arith.constant 2048 : index
      %get3A_13 = arith.constant 0 : index
      %get3A_14 = vector.load %arg4[%get3A_11, %get3A_12, %get3A_13] : memref<1x4096x1024xf32, #tpu.memory_space<vmem>>, vector<1x2048x1024xf32>
      %get3A_15 = vector.shape_cast %get3A_14 : vector<1x2048x1024xf32> to vector<2048x1024xf32>
      %dot_general3A_16 = arith.constant dense<0.000000e+00> : vector<512x2048xf32>
      %dot_general3A_17 = tpu.matmul %get3A_4, %get3A_15, %dot_general3A_16 {dimension_numbers = #tpu.dot_dimension_numbers<[1], [1], [0], [0], [0, 0, 1, 0], [], []>, transpose_lhs_hint = false} : vector<512x1024xf32>, vector<2048x1024xf32>, vector<512x2048xf32> -> vector<512x2048xf32>
      %logistic3A = arith.negf %dot_general3A_10 : vector<512x2048xf32>
      %logistic3A_18 = math.exp %logistic3A : vector<512x2048xf32>
      %logistic3A_19 = arith.constant 1.000000e+00 : f32
      %logistic3A_20 = vector.broadcast %logistic3A_19 : f32 to vector<512x2048xf32>
      %logistic3A_21 = arith.addf %logistic3A_20, %logistic3A_18 : vector<512x2048xf32>
      %logistic3A_22 = arith.divf %logistic3A_20, %logistic3A_21 : vector<512x2048xf32>
      %mul3A = arith.mulf %dot_general3A_10, %logistic3A_22 : vector<512x2048xf32>
      %mul3A_23 = arith.mulf %mul3A, %dot_general3A_17 : vector<512x2048xf32>
      %get3A_24 = arith.constant 0 : index
      %get3A_25 = arith.constant 0 : index
      %get3A_26 = arith.constant 0 : index
      %get3A_27 = vector.load %arg5[%get3A_24, %get3A_25, %get3A_26] : memref<1x1024x2048xf32, #tpu.memory_space<vmem>>, vector<1x1024x2048xf32>
      %get3A_28 = vector.shape_cast %get3A_27 : vector<1x1024x2048xf32> to vector<1024x2048xf32>
      %dot_general3A_29 = arith.constant dense<0.000000e+00> : vector<512x1024xf32>
      %dot_general3A_30 = tpu.matmul %mul3A_23, %get3A_28, %dot_general3A_29 {dimension_numbers = #tpu.dot_dimension_numbers<[1], [1], [0], [0], [0, 0, 1, 0], [], []>, transpose_lhs_hint = false} : vector<512x2048xf32>, vector<1024x2048xf32>, vector<512x1024xf32> -> vector<512x1024xf32>
      %swap3A = arith.constant 0 : index
      %swap3A_31 = arith.constant 0 : index
      %swap3A_32 = vector.load %arg6[%swap3A, %swap3A_31] : memref<512x1024xf32, #tpu.memory_space<vmem>>, vector<512x1024xf32>
      tpu.vector_store %arg6[%swap3A, %swap3A_31], %dot_general3A_30 {strides = array<i32>} : memref<512x1024xf32, #tpu.memory_space<vmem>>, vector<512x1024xf32>,
    } else {
    }
    return
  }
  func.func @transform_0(%arg0: i32, %arg1: memref<16xi32, #tpu.memory_space<smem>>, %arg2: memref<1xi32, #tpu.memory_space<smem>>) -> (i32, i32) {
    %get3A = arith.constant 0 : index
    %get3A_0 = memref.load %arg2[%get3A] : memref<1xi32, #tpu.memory_space<smem>>
    %sub3A = arith.constant 1 : i32
    %sub3A_1 = arith.subi %get3A_0, %sub3A : i32
    %min3A = arith.minsi %arg0, %sub3A_1 : i32
    %c0_i32 = arith.constant 0 : i32
    %c0_i32_2 = arith.constant 0 : i32
    return %min3A, %c0_i32 : i32, i32
  }
  func.func @transform_1(%arg0: i32, %arg1: memref<16xi32, #tpu.memory_space<smem>>, %arg2: memref<1xi32, #tpu.memory_space<smem>>) -> (i32, i32, i32) {
    %get3A = arith.constant 0 : index
    %get3A_0 = memref.load %arg2[%get3A] : memref<1xi32, #tpu.memory_space<smem>>
    %sub3A = arith.constant 1 : i32
    %sub3A_1 = arith.subi %get3A_0, %sub3A : i32
    %min3A = arith.minsi %arg0, %sub3A_1 : i32
    %get3A_2 = arith.index_cast %min3A : i32 to index
    %get3A_3 = memref.load %arg1[%get3A_2] : memref<16xi32, #tpu.memory_space<smem>>
    %c0_i32 = arith.constant 0 : i32
    %c0_i32_4 = arith.constant 0 : i32
    %c0_i32_5 = arith.constant 0 : i32
    return %get3A_3, %c0_i32, %c0_i32_4 : i32, i32, i32
  }
  func.func @transform_2(%arg0: i32, %arg1: memref<16xi32, #tpu.memory_space<smem>>, %arg2: memref<1xi32, #tpu.memory_space<smem>>) -> (i32, i32, i32) {
    %get3A = arith.constant 0 : index
    %get3A_0 = memref.load %arg2[%get3A] : memref<1xi32, #tpu.memory_space<smem>>
    %sub3A = arith.constant 1 : i32
    %sub3A_1 = arith.subi %get3A_0, %sub3A : i32
    %min3A = arith.minsi %arg0, %sub3A_1 : i32
    %get3A_2 = arith.index_cast %min3A : i32 to index
    %get3A_3 = memref.load %arg1[%get3A_2] : memref<16xi32, #tpu.memory_space<smem>>
    %c0_i32 = arith.constant 0 : i32
    %c0_i32_4 = arith.constant 0 : i32
    %c0_i32_5 = arith.constant 0 : i32
    return %get3A_3, %c0_i32, %c0_i32_4 : i32, i32, i32
  }
  func.func @transform_3(%arg0: i32, %arg1: memref<16xi32, #tpu.memory_space<smem>>, %arg2: memref<1xi32, #tpu.memory_space<smem>>) -> (i32, i32) {
    %get3A = arith.constant 0 : index
    %get3A_0 = memref.load %arg2[%get3A] : memref<1xi32, #tpu.memory_space<smem>>
    %sub3A = arith.constant 1 : i32
    %sub3A_1 = arith.subi %get3A_0, %sub3A : i32
    %min3A = arith.minsi %arg0, %sub3A_1 : i32
    %c0_i32 = arith.constant 0 : i32
    %c0_i32_2 = arith.constant 0 : i32
    return %min3A, %c0_i32 : i32, i32
  }
}

</mosaic_0001>

<sc_bundles>
// kernel: gather_offload_async_start
scs
__scs_entry_jumppad:
0x0: {  	(pc) =	sbr.rel $0x88, $3  }
0x1: {  	(tag) =	ssettag $0x0;
	lr =	simm.s32 $0x1  }
0x2: {  	[smem:$0x3F9D] =	sst lr;
	_ =	strace $0xD0000000  }
0x3: {  	_ = 	snop  }
0x4: {  	_ = 	snop  }
0x5: {  	_ = 	snop  }
0x6: {  	_ = 	snop  }
0x7: {  	_ = 	snop  }
__scs_overlays_trampoline_lowered:
0x8: {  	[smem:$0x3FAC] =	sst s0  }
0x9: {  	[smem:$0x3FAD] =	sst s1  }
0xa: {  	[smem:$0x3FAE] =	sst s2  }
0xb: {  	[smem:$0x3FAF] =	sst s3  }
0xc: {  	[smem:$0x3FB0] =	sst s4  }
0xd: {  	[smem:$0x3FB1] =	sst s5  }
0xe: {  	[smem:$0x3FB2] =	sst s6  }
0xf: {  	[smem:$0x3FB3] =	sst s7  }
0x10: {  	[smem:$0x3FB4] =	sst s8  }
0x11: {  	[smem:$0x3FB5] =	sst s9;
	s0 =	simm.s32 @!p0 $0x0  }
0x12: {  	s1 =	sld [smem:$0x3F9B];
	s0 =	simm.s32 @p0 $0x1  }
0x13: {  	[smem:$0x3FB6] =	sst s0;
	s0 =	simm.s32 @!p1 $0x0  }
0x14: {  	s2 =	sld [smem:$0x3F9A];
	s0 =	simm.s32 @p1 $0x1  }
0x15: {  	[smem:$0x3FB7] =	sst s0;
	s0 =	simm.s32 @!p2 $0x0  }
0x16: {  	s3 =	sld [smem:$0x3FDB];
	s0 =	simm.s32 @p2 $0x1  }
0x17: {  	s4 =	simm.s32 $0x1BF5;
	[smem:$0x3FB9] =	sst s0  }
0x18: {  	s0 =	sld [smem:$0x3F9C];
	_ =	swait.ge [sflag:s4], $0x0  }
0x19: {  	s7 =	sld [smem:$0x3F9D]  }
0x1a: {  	s8 =	sadd.s32 $0xFFFFE003, lr  }
0x1b: {  	s9 =	sadd.s32 $0xFFFFFEF7, lr;
	s5 =	simm.s32 $0xFFFFFFFF;
	p2 =	slt.u32 s8, $0xFFFFF086  }
0x1c: {  	p1 =	slt.u32 s9, $0xF7A;
	s5 =	simm.s32 @!p2 $0x0  }
0x1d: {  	s5 =	simm.s32 @p1 $0x1;
	p0 =	seq.s32 s7, s2  }
0x1e: {  	s7 =	smul.u32 @!p0 $0xF7A, s2;
	p2 =	seq.s32 @!p0 s5, $0x0  }
0x1f: {  	s9 =	smul.u32 $0xF7A, s1;
	s8 =	simm.s32 @!p0 $0x1BF5;
	p2 =	por !p2, p0  }
0x20: {  	[sflag:s8] =	ssyncset.s32 @!p0 $0xFFFFF086;
	s6 =	sadd.s32 @!p0 s3, s7;
	s7 =	simm.s32 @!p0 $0x108  }
0x21: {  	s3 =	sadd.s32 s3, s9;
	s6 =	sadd.s32 @!p0 $0x88, s6;
	s7 =	simm.s32 @p2 $0x1082  }
0x22: {  	[simem:s7], [sflag:s8] =	dma.local @!p0 [hbm:s6], $0xF7A  }
0x23: {  	s9 =	sor.u32 $0xD0000000, s2;
	s6 =	simm.s32 $0x108;
	_ =	swait.ge @!p0 [sflag:s8], $0x0  }
0x24: {  	s3 =	sadd.s32 $0x88, s3;
	s6 =	simm.s32 @!p1 $0x1082;
	[sflag:s4] =	ssyncset.s32 $0xFFFFF086  }
0x25: {  	[simem:s6], [sflag:s4] =	dma.local [hbm:s3], $0xF7A  }
0x26: {  	[smem:$0x3F9D] =	sst s1;
	(tag) =	ssettag s2;
	_ =	strace s9  }
0x27: {  	s1 =	sld [smem:$0x3FAD]  }
0x28: {  	s2 =	sld [smem:$0x3FAE]  }
0x29: {  	s4 =	sld [smem:$0x3FB0]  }
0x2a: {  	p0 =	seq.s32 s5, $0x0;
	s5 =	sld [smem:$0x3FB1]  }
0x2b: {  	s6 =	sld [smem:$0x3FB2]  }
0x2c: {  	s7 =	sld [smem:$0x3FB3]  }
0x2d: {  	s3 =	simm.s32 $0x108;
	s8 =	sld [smem:$0x3FB4]  }
0x2e: {  	s3 =	simm.s32 @!p0 $0x1082;
	s9 =	sld [smem:$0x3FB5]  }
0x2f: {  	lr =	sadd.s32 s0, s3;
	s0 =	sld [smem:$0x3FAC]  }
0x30: {  	s3 =	sld [smem:$0x3FAF]  }
0x31: {  	[smem:$0x3FB8] =	sst s10  }
0x32: {  	s10 =	sld [smem:$0x3FB6];
	_ =	sdelay $0x3  }
0x33: {  	p0 =	seq.s32 s10, $0x1;
	s10 =	sld [smem:$0x3FB8];
	_ =	sdelay $0x3  }
0x34: {  	[smem:$0x3FB8] =	sst s10  }
0x35: {  	s10 =	sld [smem:$0x3FB7];
	_ =	sdelay $0x3  }
0x36: {  	p1 =	seq.s32 s10, $0x1;
	s10 =	sld [smem:$0x3FB8];
	_ =	sdelay $0x3  }
0x37: {  	[smem:$0x3FB8] =	sst s10  }
0x38: {  	s10 =	sld [smem:$0x3FB9]  }
0x39: {  	_ = 	snop;
	(pc) =	sbr.ind lr, $3  }
0x3a: {  	_ = 	snop  }
0x3b: {  	_ = 	snop  }
0x3c: {  	p2 =	seq.s32 s10, $0x1;
	s10 =	sld [smem:$0x3FB8]  }
0x3d: {  	_ =	shalt  }
0x3e: {  	_ =	shalt  }
0x3f: {  	_ =	shalt  }
0x40: {  	_ =	shalt  }
0x41: {  	_ =	shalt  }
0x42: {  	_ =	shalt  }
0x43: {  	_ =	shalt  }
0x44: {  	_ =	shalt  }
0x45: {  	_ =	shalt  }
0x46: {  	_ =	shalt  }
0x47: {  	_ =	shalt  }
0x48: {  	_ =	shalt  }
0x49: {  	_ =	shalt  }
0x4a: {  	_ =	shalt  }
0x4b: {  	_ =	shalt  }
0x4c: {  	_ =	shalt  }
0x4d: {  	_ =	shalt  }
0x4e: {  	_ =	shalt  }
0x4f: {  	_ =	shalt  }
0x50: {  	_ =	shalt  }
0x51: {  	_ =	shalt  }
0x52: {  	_ =	shalt  }
0x53: {  	_ =	shalt  }
0x54: {  	_ =	shalt  }
0x55: {  	_ =	shalt  }
0x56: {  	_ =	shalt  }
0x57: {  	_ =	shalt  }
0x58: {  	_ =	shalt  }
0x59: {  	_ =	shalt  }
0x5a: {  	_ =	shalt  }
0x5b: {  	_ =	shalt  }
0x5c: {  	_ =	shalt  }
0x5d: {  	_ =	shalt  }
0x5e: {  	_ =	shalt  }
0x5f: {  	_ =	shalt  }
0x60: {  	_ =	shalt  }
0x61: {  	_ =	shalt  }
0x62: {  	_ =	shalt  }
0x63: {  	_ =	shalt  }
0x64: {  	_ =	shalt  }
0x65: {  	_ =	shalt  }
0x66: {  	_ =	shalt  }
0x67: {  	_ =	shalt  }
0x68: {  	_ =	shalt  }
0x69: {  	_ =	shalt  }
0x6a: {  	_ =	shalt  }
0x6b: {  	_ =	shalt  }
0x6c: {  	_ =	shalt  }
0x6d: {  	_ =	shalt  }
0x6e: {  	_ =	shalt  }
0x6f: {  	_ =	shalt  }
0x70: {  	_ =	shalt  }
0x71: {  	_ =	shalt  }
0x72: {  	_ =	shalt  }
0x73: {  	_ =	shalt  }
0x74: {  	_ =	shalt  }
0x75: {  	_ =	shalt  }
0x76: {  	_ =	shalt  }
0x77: {  	_ =	shalt  }
0x78: {  	_ =	shalt  }
0x79: {  	_ =	shalt  }
0x7a: {  	_ =	shalt  }
0x7b: {  	_ =	shalt  }
0x7c: {  	_ =	shalt  }
0x7d: {  	_ =	shalt  }
0x7e: {  	_ =	shalt  }
0x7f: {  	_ =	shalt  }
0x80: {  	_ =	shalt  }
0x81: {  	_ =	shalt  }
0x82: {  	_ =	shalt  }
0x83: {  	_ =	shalt  }
0x84: {  	_ =	shalt  }
0x85: {  	_ =	shalt  }
0x86: {  	_ =	shalt  }
0x87: {  	_ =	shalt  }
.Lfunc_end0:
.L_simem_size_0:
called_computation.1_lowered:
.L_overlay_start_0:
0x88: {  	s2 =	sld [smem:$0x3FD9]  }
0x89: {  	s3 =	sld [smem:$0x3FFE];
	_ =	sdelay $0x1  }
0x8a: {  	s1 =	srdreg.scid  }
0x8b: {  	s0 =	sand.u32 $0x1, s1  }
0x8c: {  	s17 =	sshll.u32 s0, $0xA;
	s2 =	sadd.s32 s3, s2  }
0x8d: {  	s2 =	sadd.s32 s2, s17  }
0x8e: {  	[smem:$0x3FC4] =	sst s2  }
0x8f: {  	_ = 	snop  }
0x90: {  	s2 =	sld [smem:$0x3FD0];
	(tm) =	ssettm $0x1  }
0x91: {  	s18 =	sld [smem:$0x3FFB];
	_ =	sdelay $0x3  }
0x92: {  	_ =	strace s18  }
0x93: {  	s3 =	sld [smem:$0x3FFC];
	_ =	sdelay $0x3  }
0x94: {  	_ =	strace s3  }
0x95: {  	s3 =	sld [smem:$0x3FFD];
	_ =	sdelay $0x3  }
0x96: {  	_ =	strace s3  }
0x97: {  	_ =	strace $0x8FFFFFFF  }
0x98: {  	s19 =	sld [smem:$0x3FDB];
	_ =	sdelay $0x1  }
0x99: {  	s4 =	simm.s32 $_scs_section_size  }
0x9a: {  	s5 =	simm.s32 $_size__tile_overlayer_lowered;
	s6 =	simm.s32 $_tile_overlayer_lowered  }
0x9b: {  	s22 =	simm.s32 $0x1BFF;
	s21 =	sshll.u32 s6, $0x1;
	s3 =	sadd.s32 s4, s19  }
0x9c: {  	s7 =	simm.s32 $0x0;
	s20 =	sshll.u32 s5, $0x1;
	s5 =	sadd.s32 s21, s3  }
0x9d: {  	[timem:s7], [sflag:s22] =	dma.local [hbm:s5], s20  }
0x9e: {  	_ =	swait.ge [sflag:s22], s20  }
0x9f: {  	s4 =	ssub.s32 $0x0, s20;
	[sflag:s22] =	ssyncset.done $0x0  }
0xa0: {  	[sflag:s22] =	ssyncadd.s32 s4;
	_ =	sdelay $0x1  }
0xa1: {  	s23 =	simm.s32 $0x1B8B  }
0xa2: {  	_ =	swait.ge [sflag:s23], $0x1  }
0xa3: {  	[sflag:s23] =	ssyncset.done $0x0  }
0xa4: {  	s25 =	simm.s32 $0x1B8E;
	s24 =	sld [smem:$0x3FFE];
	[sflag:s23] =	ssyncadd.s32 $0xFFFFFFFF  }
0xa5: {  	s26 =	simm.s32 $execute0_lowered;
	[smem:$0x3FD2] =	sst s25  }
0xa6: {  	s5 =	sshll.u32 s26, $0x1;
	_ =	strace $0x80000049;
	[dreg:$0x1] =	wrdreg $0xFFFFFFFF  }
0xa7: {  	s28 =	simm.s32 $_size_execute0_lowered;
	s3 =	sadd.s32 s3, s5;
	[dreg:$0x0] =	wrdreg $0x0  }
0xa8: {  	s5 =	sshll.u32 s28, $0x1;
	[dreg:$0x2] =	wrdreg s3  }
0xa9: {  	[dreg:$0x3] =	wrdreg s5  }
0xaa: {  	[dreg:$0x4] =	wrdreg $0xC0  }
0xab: {  	_ =	task [dreg:s7], $0x5FFFF  }
0xac: {  	[dreg:$0x1] =	wrdreg $0xFFFFFFFF  }
0xad: {  	[dreg:$0x0] =	wrdreg $0x60  }
0xae: {  	[dreg:$0x2] =	wrdreg s24  }
0xaf: {  	[dreg:$0x3] =	wrdreg s2  }
0xb0: {  	[dreg:$0x4] =	wrdreg $0x9  }
0xb1: {  	_ =	task.clear_ibuf [dreg:s7], $0x5FFFF;
	_ =	strace $0x90000049  }
0xb2: {  	s29 =	simm.s32 $0x9;
	_ =	strace $0x8000004B  }
0xb3: {  	_ =	swait.ge [sflag:s29], $0x1  }
0xb4: {  	[sflag:s29] =	ssyncadd.s32 $0xFFFFFFFF  }
0xb5: {  	_ =	strace $0x9000004B  }
0xb6: {  	_ =	sfence  }
0xb7: {  	s30 =	sld [smem:$0x0];
	_ =	sdelay $0x2  }
0xb8: {  	s31 =	sshll.u32 s1, $0xD;
	s1 =	sshrl.u32 s1, $0x2  }
0xb9: {  	s3 =	sand.u32 $0x4000, s31;
	s1 =	sadd.s32 s1, s30  }
0xba: {  	s0 =	sor.u32 s3, s0;
	s1 =	sshll.u32 s1, $0x11  }
0xbb: {  	s0 =	sor.u32 s1, s0  }
0xbc: {  	s0 =	sadd.s32 $0x8F2B, s0  }
0xbd: {  	[sflag:s0] =	ssyncadd.remote.s32 $0x1  }
0xbe: {  	_ =	sfence.sel $0xFFFF  }
0xbf: {  	[dreg:$0x0] =	wrdreg $0xFFFFFFFF;
	(pc) =	sbr.abs _section_cstart, $3  }
0xc0: {  	[dreg:$0x1] =	wrdreg $0xFFFFFFFF  }
0xc1: {  	_ =	task.clear_ibuf [dreg:s7], $0x2FFFF;
	_ =	strace $0x9FFFFFFF  }
0xc2: {  	(tm) =	ssettm $0x7FFFFFFF  }
0xc3: {  	_ =	shalt  }
tec
execute0_lowered:
.L_overlay_start_1:
0x0: {  	(tag) =	ssettag $0x1  }
0x1: {  	s1 =	srdreg.scid;
	s2 =	rddreg [dreg:$0x0]  }
0x2: {  	s0 =	stileid.u32;
	s3 =	rddreg [dreg:$0x1]  }
0x3: {  	s6 =	simm.s32 $0x1;
	s9 =	simm.s32 $0x1;
	s1 =	sshll.u32 s1, $0x6  }
0x4: {  	s10 =	simm.s32 $0x3;
	s4 =	sshll.u32 s0, $0x7;
	s5 =	sand.u32 $0x40, s1  }
0x5: {  	s13 =	simm.s32 $0x0;
	s12 =	simm.s32 $0x0;
	s4 =	sor.u32 s4, s5  }
0x6: {  	s1 =	rddreg [dreg:$0x2];
	_ =	strace $0x8000004A;
	s8 =	ssub.s32 $0x1000, s4  }
.Ltmp0:
0x7: {  	s5 =	sadd.s32 $0x600, s2;
	s7 =	sand.u32 $0x7C0, s8;
	(pc) =	sbr.rel .LBB2_1-.Ltmp0, $4  }
0x8: {  	[sflag:s6] =	ssyncpa.u1 $0x0;
	s11 =	smov.u32 s4;
	p0 =	sne.s32 s7, $0x0  }
0x9: {  	s8 =	sshrl.u32 s8, $0xB;
	s7 =	simm.s32 $0x2;
	s9 =	simm.s32 @!p0 $0x0  }
0xa: {  	[sflag:s7] =	ssyncpa.u1 $0x0;
	p0 =	por $0x0, $0x0;
	s8 =	sadd.s32 s9, s8  }
0xb: {  	vm0 =	vmmov $0xffff;
	[sflag:s10] =	ssyncpa.u1 $0x0;
	s10 =	simm.s32 $0x0;
	s9 =	sadd.s32 $0x1, s8  }
.LBB2_4:
0xc: {  	v2 =	vnsel vm1, $0x0, v2  }
0xd: {  	vm1 =	vgt.s32 v0, $0x0;
	v2 =	vmin.u32 v2, $0xFFF  }
0xe: {  	v0 =	vnsel vm1, $0x0, v0  }
0xf: {  	v0 =	vmin.u32 v0, $0xFFF  }
0x10: {  	[tilespmem:s15], [sflag:$0x1] =	stream.indirect_vreg.gather [hbm4b:s2+s10], $0x1, v1, vm0, $0x4038;
	[tilespmem:$0x100] =	vst v63  }
0x11: {  	(ifvalue) =	ssetifvalue $0x7FFFFFFF  }
0x12: {  	[tilespmem:s16], [sflag:$0x1] =	stream.indirect_vreg.gather [hbm4b:s2+s10], $0x1, v2, vm0, $0x4038;
	[tilespmem:$0x100] =	vst v63  }
0x13: {  	s29 =	sadd.s32 $0x10, s16;
	(ifvalue) =	ssetifvalue $0x7FFFFFFF  }
0x14: {  	[tilespmem:s29], [sflag:$0x1] =	stream.indirect_vreg.gather [hbm4b:s2+s10], $0x1, v0, vm0, $0x4038;
	[tilespmem:$0x100] =	vst v63  }
0x15: {  	_ =	swait.ge [sflag:s6], $0x40  }
0x16: {  	s30 =	sshrl.u32 s13, $0x3;
	[sflag:s6] =	ssyncset.done $0x0  }
0x17: {  	s31 =	sand.u32 $0x7, s13;
	s15 =	sadd.s32 s3, s30;
	[sflag:s6] =	ssyncadd.s32 $0xFFFFFFC0  }
0x18: {  	[hbm4b:s15+s31] =	stream.linear.scatter [tilespmem:s14], [sflag:$0x3], $0x40, $0x38;
	[tilespmem:$0x100] =	vst v63  }
.LBB2_5:
0x19: {  	s15 =	sadd.s32 $0x800, s11  }
0x1a: {  	p2 =	sgt.s32 s15, $0xFFF  }
0x1b: {  	s15 =	smov.u32 @p2 s4;
	p2 =	sne.s32 s12, s9  }
.Ltmp1:
0x1c: {  	p1 =	slt.u32 s12, $0x2;
	(pc) =	sbr.rel @!p2 .LBB2_6-.Ltmp1, $4  }
0x1d: {  	s14 =	simm.s32 @!p1 $0x3  }
0x1e: {  	s16 =	sadd.s32 $0x1, s12;
	_ =	swait.ge @!p1 [sflag:s14], $0x40  }
0x1f: {  	s13 =	smov.u32 s11;
	p0 =	por !p0, !p0;
	[sflag:s14] =	ssyncset.done @!p1 $0x0  }
0x20: {  	s12 =	smov.u32 s16;
	s11 =	smov.u32 s15;
	[sflag:s14] =	ssyncadd.s32 @!p1 $0xFFFFFFC0  }
.LBB2_1:
0x21: {  	p1 =	sge.u32 s12, s8  }
0x22: {  	s14 =	sxor.u32 @!p1 $0xFFFFFFFF, s12  }
0x23: {  	s31 =	sadd.s32 $0xFFFFFFFF, s12;
	s15 =	sshrl.u32 @!p1 s11, $0x3;
	s14 =	sshll.u32 @!p1 s14, $0x6  }
0x24: {  	s16 =	sand.u32 @!p1 $0x7, s11;
	s15 =	sadd.s32 @!p1 s5, s15;
	s14 =	sand.u32 @!p1 $0x40, s14  }
0x25: {  	[tilespmem:s14], [sflag:$0x2] =	stream.linear.gather @!p1 [hbm4b:s15+s16], $0x40, $0x38;
	[tilespmem:$0x100] =	vst v63  }
0x26: {  	p1 =	sge.u32 s31, s8  }
.Ltmp2:
0x27: {  	_ = 	snop;
	(pc) =	sbr.rel @p1 .LBB2_5-.Ltmp2, $1  }
0x28: {  	_ =	sdelay $0x3  }
0x29: {  	s14 =	simm.s32 $0x1  }
0x2a: {  	_ =	swait.ge [sflag:s7], $0x40;
	s14 =	simm.s32 @!p0 $0x0  }
0x2b: {  	[sflag:s7] =	ssyncset.done $0x0;
	s14 =	sshll.u32 s14, $0x6  }
0x2c: {  	[sflag:s7] =	ssyncadd.s32 $0xFFFFFFC0;
	(ifvalue) =	ssetifvalue $0x7FFFFFFF;
	v0 =	vld.msk [tilespmem:s14+$0x0 ss:$0x1], $0xffff;
	_ =	sdelay $0x4  }
0x2d: {  	s15 =	sadd.s32 $0x10, s14;
	vm1 =	vgt.s32 v0, $0x0  }
0x2e: {  	v2 =	vld.msk [tilespmem:s15+$0x0 ss:$0x1], $0xffff;
	v1 =	vnsel vm1, $0x0, v0  }
0x2f: {  	v1 =	vmin.u32 v1, $0xFFF;
	_ =	sdelay $0x1  }
0x30: {  	s16 =	sshll.u32 s12, $0x6;
	s18 =	simm.s32 $0x20  }
0x31: {  	s16 =	sand.u32 $0x40, s16;
	s17 =	sadd.s32 $0x10, s15;
	s15 =	sor.u32 $0x80, s14  }
0x32: {  	s14 =	sor.u32 $0x80, s16;
	s16 =	sadd.s32 $0x10, s15;
	v0 =	vld.msk [tilespmem:s17+$0x0 ss:$0x1], $0xffff;
	vm1 =	vgt.s32 v2, $0x0;
	(ifvalue) =	ssetifvalue $0x7FFFFFFF  }
.LBB2_3:
0x33: {  	[tilespmem:s15], [sflag:$0x1] =	stream.indirect_vreg.gather [hbm4b:s2+s10], $0x1, v1, vm0, $0x4038;
	[tilespmem:$0x100] =	vst v63  }
0x34: {  	s18 =	sadd.s32 $0x10, s18  }
0x35: {  	v2 =	vnsel vm1, $0x0, v2;
	p1 =	slt.u32 s18, $0x30  }
.Ltmp3:
0x36: {  	s15 =	smov.u32 s16;
	v1 =	vmin.u32 v2, $0xFFF;
	(pc) =	sbr.rel @p1 .LBB2_3-.Ltmp3, $3  }
0x37: {  	_ =	sdelay $0x1  }
0x38: {  	s17 =	sadd.s32 $0x10, s17  }
0x39: {  	vm1 =	vgt.s32 v0, $0x0;
	s16 =	sadd.s32 $0x10, s16;
	v2 =	vmov v0;
	(ifvalue) =	ssetifvalue $0x7FFFFFFF;
	v0 =	vld.msk [tilespmem:s17+$0x0 ss:$0x1], $0xffff  }
.Ltmp4:
0x3a: {  	_ = 	snop;
	(pc) =	sbr.rel .LBB2_4-.Ltmp4, $1  }
0x3b: {  	_ =	sdelay $0x3  }
.LBB2_6:
0x3c: {  	_ =	sfence.sel $0x180000  }
0x3d: {  	s2 =	simm.s32 $0x2;
	[bflag:$0x0] =	sbarrier.arrive $0xFFFF  }
0x3e: {  	s30 =	simm.s32 $0x3;
	[sflag:s2] =	ssyncpa.u1 $0x1  }
0x3f: {  	s31 =	simm.s32 $0x1;
	[sflag:s30] =	ssyncpa.u1 $0x1  }
0x40: {  	[sflag:s31] =	ssyncpa.u1 $0x1  }
0x41: {  	p0 =	sne.s32 s0, $0x0;
	_ =	strace $0x9000004A  }
0x42: {  	s0 =	sadd.s32 @!p0 $0x100000, s1;
	[bflag:$0x2] =	sbarrier.arrive $0xFFFF  }
0x43: {  	[sflag:s0] =	ssyncadd.tile.s32 @!p0 $0x1;
	_ =	shalt  }
.Lfunc_end2:
_tile_overlayer_lowered:
.L_overlay_start_2:
0x44: {  	(tag) =	ssettag $0x2  }
0x45: {  	s0 =	rddreg [dreg:$0x0];
	s2 =	stileid.u32  }
0x46: {  	s1 =	rddreg [dreg:$0x1];
	p0 =	sne.s32 s2, $0x0  }
0x47: {  	s3 =	rddreg [dreg:$0x2];
	[bflag:$0x3] =	sbarrier.arrive $0xFFFF;
	s2 =	simm.s32 @!p0 $0x1C01  }
0x48: {  	[timem:s3], [sflag:s2] =	dma.local @!p0 [hbm:s0], s1  }
0x49: {  	s0 =	simm.s32 @!p0 $0x1  }
0x4a: {  	_ =	swait.ge @!p0 [sflag:s0], s1  }
0x4b: {  	s1 =	ssub.s32 @!p0 $0x0, s1;
	[sflag:s0] =	ssyncset.done @!p0 $0x0  }
0x4c: {  	[sflag:s0] =	ssyncadd.s32 @!p0 s1  }
0x4d: {  	[bflag:$0x3] =	sbarrier.arrive $0xFFFF  }
0x4e: {  	_ =	shalt  }

// kernel: kernel.5.cloned.1.call-start
scs
__scs_entry_jumppad:
0x0: {  	(pc) =	sbr.rel $0x88, $3  }
0x1: {  	(tag) =	ssettag $0x0;
	lr =	simm.s32 $0x1  }
0x2: {  	[smem:$0x3F9D] =	sst lr;
	_ =	strace $0xD0000000  }
0x3: {  	_ = 	snop  }
0x4: {  	_ = 	snop  }
0x5: {  	_ = 	snop  }
0x6: {  	_ = 	snop  }
0x7: {  	_ = 	snop  }
__scs_overlays_trampoline_lowered:
0x8: {  	[smem:$0x3FAC] =	sst s0  }
0x9: {  	[smem:$0x3FAD] =	sst s1  }
0xa: {  	[smem:$0x3FAE] =	sst s2  }
0xb: {  	[smem:$0x3FAF] =	sst s3  }
0xc: {  	[smem:$0x3FB0] =	sst s4  }
0xd: {  	[smem:$0x3FB1] =	sst s5  }
0xe: {  	[smem:$0x3FB2] =	sst s6  }
0xf: {  	[smem:$0x3FB3] =	sst s7  }
0x10: {  	[smem:$0x3FB4] =	sst s8  }
0x11: {  	[smem:$0x3FB5] =	sst s9;
	s0 =	simm.s32 @!p0 $0x0  }
0x12: {  	s1 =	sld [smem:$0x3F9B];
	s0 =	simm.s32 @p0 $0x1  }
0x13: {  	[smem:$0x3FB6] =	sst s0;
	s0 =	simm.s32 @!p1 $0x0  }
0x14: {  	s2 =	sld [smem:$0x3F9A];
	s0 =	simm.s32 @p1 $0x1  }
0x15: {  	[smem:$0x3FB7] =	sst s0;
	s0 =	simm.s32 @!p2 $0x0  }
0x16: {  	s3 =	sld [smem:$0x3FDB];
	s0 =	simm.s32 @p2 $0x1  }
0x17: {  	s4 =	simm.s32 $0x1BF5;
	[smem:$0x3FB9] =	sst s0  }
0x18: {  	s0 =	sld [smem:$0x3F9C];
	_ =	swait.ge [sflag:s4], $0x0  }
0x19: {  	s7 =	sld [smem:$0x3F9D]  }
0x1a: {  	s8 =	sadd.s32 $0xFFFFE003, lr  }
0x1b: {  	s9 =	sadd.s32 $0xFFFFFEF7, lr;
	s5 =	simm.s32 $0xFFFFFFFF;
	p2 =	slt.u32 s8, $0xFFFFF086  }
0x1c: {  	p1 =	slt.u32 s9, $0xF7A;
	s5 =	simm.s32 @!p2 $0x0  }
0x1d: {  	s5 =	simm.s32 @p1 $0x1;
	p0 =	seq.s32 s7, s2  }
0x1e: {  	s7 =	smul.u32 @!p0 $0xF7A, s2;
	p2 =	seq.s32 @!p0 s5, $0x0  }
0x1f: {  	s9 =	smul.u32 $0xF7A, s1;
	s8 =	simm.s32 @!p0 $0x1BF5;
	p2 =	por !p2, p0  }
0x20: {  	[sflag:s8] =	ssyncset.s32 @!p0 $0xFFFFF086;
	s6 =	sadd.s32 @!p0 s3, s7;
	s7 =	simm.s32 @!p0 $0x108  }
0x21: {  	s3 =	sadd.s32 s3, s9;
	s6 =	sadd.s32 @!p0 $0x88, s6;
	s7 =	simm.s32 @p2 $0x1082  }
0x22: {  	[simem:s7], [sflag:s8] =	dma.local @!p0 [hbm:s6], $0xF7A  }
0x23: {  	s9 =	sor.u32 $0xD0000000, s2;
	s6 =	simm.s32 $0x108;
	_ =	swait.ge @!p0 [sflag:s8], $0x0  }
0x24: {  	s3 =	sadd.s32 $0x88, s3;
	s6 =	simm.s32 @!p1 $0x1082;
	[sflag:s4] =	ssyncset.s32 $0xFFFFF086  }
0x25: {  	[simem:s6], [sflag:s4] =	dma.local [hbm:s3], $0xF7A  }
0x26: {  	[smem:$0x3F9D] =	sst s1;
	(tag) =	ssettag s2;
	_ =	strace s9  }
0x27: {  	s1 =	sld [smem:$0x3FAD]  }
0x28: {  	s2 =	sld [smem:$0x3FAE]  }
0x29: {  	s4 =	sld [smem:$0x3FB0]  }
0x2a: {  	p0 =	seq.s32 s5, $0x0;
	s5 =	sld [smem:$0x3FB1]  }
0x2b: {  	s6 =	sld [smem:$0x3FB2]  }
0x2c: {  	s7 =	sld [smem:$0x3FB3]  }
0x2d: {  	s3 =	simm.s32 $0x108;
	s8 =	sld [smem:$0x3FB4]  }
0x2e: {  	s3 =	simm.s32 @!p0 $0x1082;
	s9 =	sld [smem:$0x3FB5]  }
0x2f: {  	lr =	sadd.s32 s0, s3;
	s0 =	sld [smem:$0x3FAC]  }
0x30: {  	s3 =	sld [smem:$0x3FAF]  }
0x31: {  	[smem:$0x3FB8] =	sst s10  }
0x32: {  	s10 =	sld [smem:$0x3FB6];
	_ =	sdelay $0x3  }
0x33: {  	p0 =	seq.s32 s10, $0x1;
	s10 =	sld [smem:$0x3FB8];
	_ =	sdelay $0x3  }
0x34: {  	[smem:$0x3FB8] =	sst s10  }
0x35: {  	s10 =	sld [smem:$0x3FB7];
	_ =	sdelay $0x3  }
0x36: {  	p1 =	seq.s32 s10, $0x1;
	s10 =	sld [smem:$0x3FB8];
	_ =	sdelay $0x3  }
0x37: {  	[smem:$0x3FB8] =	sst s10  }
0x38: {  	s10 =	sld [smem:$0x3FB9]  }
0x39: {  	_ = 	snop;
	(pc) =	sbr.ind lr, $3  }
0x3a: {  	_ = 	snop  }
0x3b: {  	_ = 	snop  }
0x3c: {  	p2 =	seq.s32 s10, $0x1;
	s10 =	sld [smem:$0x3FB8]  }
0x3d: {  	_ =	shalt  }
0x3e: {  	_ =	shalt  }
0x3f: {  	_ =	shalt  }
0x40: {  	_ =	shalt  }
0x41: {  	_ =	shalt  }
0x42: {  	_ =	shalt  }
0x43: {  	_ =	shalt  }
0x44: {  	_ =	shalt  }
0x45: {  	_ =	shalt  }
0x46: {  	_ =	shalt  }
0x47: {  	_ =	shalt  }
0x48: {  	_ =	shalt  }
0x49: {  	_ =	shalt  }
0x4a: {  	_ =	shalt  }
0x4b: {  	_ =	shalt  }
0x4c: {  	_ =	shalt  }
0x4d: {  	_ =	shalt  }
0x4e: {  	_ =	shalt  }
0x4f: {  	_ =	shalt  }
0x50: {  	_ =	shalt  }
0x51: {  	_ =	shalt  }
0x52: {  	_ =	shalt  }
0x53: {  	_ =	shalt  }
0x54: {  	_ =	shalt  }
0x55: {  	_ =	shalt  }
0x56: {  	_ =	shalt  }
0x57: {  	_ =	shalt  }
0x58: {  	_ =	shalt  }
0x59: {  	_ =	shalt  }
0x5a: {  	_ =	shalt  }
0x5b: {  	_ =	shalt  }
0x5c: {  	_ =	shalt  }
0x5d: {  	_ =	shalt  }
0x5e: {  	_ =	shalt  }
0x5f: {  	_ =	shalt  }
0x60: {  	_ =	shalt  }
0x61: {  	_ =	shalt  }
0x62: {  	_ =	shalt  }
0x63: {  	_ =	shalt  }
0x64: {  	_ =	shalt  }
0x65: {  	_ =	shalt  }
0x66: {  	_ =	shalt  }
0x67: {  	_ =	shalt  }
0x68: {  	_ =	shalt  }
0x69: {  	_ =	shalt  }
0x6a: {  	_ =	shalt  }
0x6b: {  	_ =	shalt  }
0x6c: {  	_ =	shalt  }
0x6d: {  	_ =	shalt  }
0x6e: {  	_ =	shalt  }
0x6f: {  	_ =	shalt  }
0x70: {  	_ =	shalt  }
0x71: {  	_ =	shalt  }
0x72: {  	_ =	shalt  }
0x73: {  	_ =	shalt  }
0x74: {  	_ =	shalt  }
0x75: {  	_ =	shalt  }
0x76: {  	_ =	shalt  }
0x77: {  	_ =	shalt  }
0x78: {  	_ =	shalt  }
0x79: {  	_ =	shalt  }
0x7a: {  	_ =	shalt  }
0x7b: {  	_ =	shalt  }
0x7c: {  	_ =	shalt  }
0x7d: {  	_ =	shalt  }
0x7e: {  	_ =	shalt  }
0x7f: {  	_ =	shalt  }
0x80: {  	_ =	shalt  }
0x81: {  	_ =	shalt  }
0x82: {  	_ =	shalt  }
0x83: {  	_ =	shalt  }
0x84: {  	_ =	shalt  }
0x85: {  	_ =	shalt  }
0x86: {  	_ =	shalt  }
0x87: {  	_ =	shalt  }
.Lfunc_end0:
.L_simem_size_0:
called_computation.2_lowered:
.L_overlay_start_0:
0x88: {  	s2 =	sld [smem:$0x3FD9]  }
0x89: {  	s3 =	sld [smem:$0x3FFE];
	_ =	sdelay $0x1  }
0x8a: {  	s1 =	srdreg.scid  }
0x8b: {  	s0 =	sand.u32 $0x1, s1  }
0x8c: {  	s17 =	sshll.u32 s0, $0xA;
	s2 =	sadd.s32 s3, s2  }
0x8d: {  	s2 =	sadd.s32 s2, s17  }
0x8e: {  	[smem:$0x3FC4] =	sst s2  }
0x8f: {  	_ = 	snop  }
0x90: {  	s2 =	sld [smem:$0x3FC9]  }
0x91: {  	s18 =	sld [smem:$0x3FD0];
	(tm) =	ssettm $0x1  }
0x92: {  	s4 =	sld [smem:$0x3FFB];
	_ =	sdelay $0x3  }
0x93: {  	_ =	strace s4  }
0x94: {  	s4 =	sld [smem:$0x3FFC];
	_ =	sdelay $0x3  }
0x95: {  	_ =	strace s4  }
0x96: {  	s4 =	sld [smem:$0x3FFD];
	_ =	sdelay $0x3  }
0x97: {  	_ =	strace s4  }
0x98: {  	_ =	strace $0x8FFFFFFF  }
0x99: {  	s19 =	sld [smem:$0x3FDB];
	_ =	sdelay $0x1  }
0x9a: {  	s5 =	simm.s32 $_scs_section_size  }
0x9b: {  	s6 =	simm.s32 $_size__tile_overlayer_lowered;
	s7 =	simm.s32 $_tile_overlayer_lowered  }
0x9c: {  	s22 =	simm.s32 $0x1BFF;
	s21 =	sshll.u32 s7, $0x1;
	s4 =	sadd.s32 s5, s19  }
0x9d: {  	s8 =	simm.s32 $0x0;
	s20 =	sshll.u32 s6, $0x1;
	s6 =	sadd.s32 s21, s4  }
0x9e: {  	[timem:s8], [sflag:s22] =	dma.local [hbm:s6], s20  }
0x9f: {  	_ =	swait.ge [sflag:s22], s20  }
0xa0: {  	s5 =	ssub.s32 $0x0, s20;
	[sflag:s22] =	ssyncset.done $0x0  }
0xa1: {  	[sflag:s22] =	ssyncadd.s32 s5;
	_ =	sdelay $0x1  }
0xa2: {  	s23 =	simm.s32 $0x1B8B  }
0xa3: {  	_ =	swait.ge [sflag:s23], $0x1  }
0xa4: {  	[sflag:s23] =	ssyncset.done $0x0  }
0xa5: {  	s25 =	simm.s32 $0x1B8E;
	s24 =	sld [smem:$0x3FFE];
	[sflag:s23] =	ssyncadd.s32 $0xFFFFFFFF  }
0xa6: {  	s26 =	simm.s32 $execute0_lowered;
	[smem:$0x3FD2] =	sst s25  }
0xa7: {  	s6 =	sshll.u32 s26, $0x1;
	_ =	strace $0x8000004C;
	[dreg:$0x1] =	wrdreg $0xFFFFFFFF  }
0xa8: {  	s28 =	simm.s32 $_size_execute0_lowered;
	s4 =	sadd.s32 s4, s6;
	[dreg:$0x0] =	wrdreg $0x0  }
0xa9: {  	s6 =	sshll.u32 s28, $0x1;
	[dreg:$0x2] =	wrdreg s4  }
0xaa: {  	[dreg:$0x3] =	wrdreg s6  }
0xab: {  	[dreg:$0x4] =	wrdreg $0xC0  }
0xac: {  	_ =	task [dreg:s8], $0x5FFFF  }
0xad: {  	[dreg:$0x1] =	wrdreg $0xFFFFFFFF  }
0xae: {  	[dreg:$0x0] =	wrdreg $0x60  }
0xaf: {  	[dreg:$0x2] =	wrdreg s2  }
0xb0: {  	[dreg:$0x3] =	wrdreg s18  }
0xb1: {  	[dreg:$0x4] =	wrdreg s24  }
0xb2: {  	[dreg:$0x5] =	wrdreg $0x9  }
0xb3: {  	_ =	task.clear_ibuf [dreg:s8], $0x6FFFF;
	_ =	strace $0x9000004C  }
0xb4: {  	s29 =	simm.s32 $0x9;
	_ =	strace $0x8000004E  }
0xb5: {  	_ =	swait.ge [sflag:s29], $0x1  }
0xb6: {  	[sflag:s29] =	ssyncadd.s32 $0xFFFFFFFF  }
0xb7: {  	_ =	strace $0x9000004E  }
0xb8: {  	_ =	sfence  }
0xb9: {  	s30 =	sld [smem:$0x0];
	_ =	sdelay $0x2  }
0xba: {  	s31 =	sshll.u32 s1, $0xD;
	s1 =	sshrl.u32 s1, $0x2  }
0xbb: {  	s3 =	sand.u32 $0x4000, s31;
	s1 =	sadd.s32 s1, s30  }
0xbc: {  	s0 =	sor.u32 s3, s0;
	s1 =	sshll.u32 s1, $0x11  }
0xbd: {  	s0 =	sor.u32 s1, s0  }
0xbe: {  	s0 =	sadd.s32 $0x8F2B, s0  }
0xbf: {  	[sflag:s0] =	ssyncadd.remote.s32 $0x1  }
0xc0: {  	_ =	sfence.sel $0xFFFF  }
0xc1: {  	[dreg:$0x0] =	wrdreg $0xFFFFFFFF;
	(pc) =	sbr.abs _section_cstart, $3  }
0xc2: {  	[dreg:$0x1] =	wrdreg $0xFFFFFFFF  }
0xc3: {  	_ =	task.clear_ibuf [dreg:s8], $0x2FFFF;
	_ =	strace $0x9FFFFFFF  }
0xc4: {  	(tm) =	ssettm $0x7FFFFFFF  }
0xc5: {  	_ =	shalt  }
tec
execute0_lowered:
.L_overlay_start_1:
0x0: {  	(tag) =	ssettag $0x1  }
0x1: {  	s2 =	rddreg [dreg:$0x0]  }
0x2: {  	s0 =	rddreg [dreg:$0x1]  }
0x3: {  	s1 =	srdreg.scid;
	s7 =	rddreg [dreg:$0x2]  }
0x4: {  	s3 =	stileid.u32;
	s18 =	simm.s32 $0x1;
	s1 =	sand.u32 $0x1, s1  }
0x5: {  	s4 =	sshll.u32 s3, $0x9;
	s3 =	simm.s32 $0x0;
	s5 =	sshll.u32 s1, $0x8  }
0x6: {  	s1 =	ssub.s32 $0x2, s1;
	[smem:$0x7FF] =	sst s3;
	s6 =	sor.u32 s5, s4  }
0x7: {  	s21 =	sshrl.u32 s1, $0x1;
	_ =	strace $0x8000004D;
	s4 =	sadd.s32 $0x100, s2  }
0x8: {  	s5 =	sshrl.u32 s6, $0x3;
	s1 =	ssub.s32 s1, s21;
	s23 =	sshll.u32 s6, $0x7  }
0x9: {  	s8 =	sor.u32 $0x40, s6;
	s25 =	sor.u32 $0x80, s6;
	s6 =	sor.u32 $0xC0, s6  }
0xa: {  	s22 =	sadd.s32 s0, s5;
	s5 =	sadd.s32 s7, s23;
	s9 =	sshrl.u32 s8, $0x3  }
0xb: {  	s8 =	sshll.u32 s8, $0x7;
	s26 =	sshrl.u32 s25, $0x3;
	[dreg:$0x4] =	wrdreg s22  }
0xc: {  	s29 =	sshrl.u32 s6, $0x3;
	[dreg:$0x5] =	wrdreg s5;
	s24 =	sadd.s32 s0, s9  }
0xd: {  	s30 =	sshll.u32 s6, $0x7;
	s8 =	sadd.s32 s7, s8;
	[dreg:$0x6] =	wrdreg s24  }
0xe: {  	s6 =	sadd.s32 $0x300, s2;
	s31 =	sadd.s32 s7, s30;
	[dreg:$0x7] =	wrdreg s8  }
0xf: {  	s9 =	sshll.u32 s25, $0x7;
	s8 =	sadd.s32 s0, s26;
	[dreg:$0xb] =	wrdreg s31  }
0x10: {  	v2 =	vlaneseq.u32;
	s23 =	simm.s32 $0x80;
	s28 =	sadd.s32 s7, s9;
	[dreg:$0x8] =	wrdreg s8  }
0x11: {  	vm0 =	vmmov $0xffff;
	v1 =	vshrl.u32 v2, $0x3;
	s5 =	sadd.s32 $0x200, s2;
	s0 =	sadd.s32 s0, s29;
	[dreg:$0x9] =	wrdreg s28  }
0x12: {  	v0 =	vand.u32 $0x7, v2;
	v2 =	vor.u32 $0x8, v2;
	v1 =	vmul.u32 $0x8, v1;
	s7 =	smax.u32 s1, $0x1;
	[dreg:$0xa] =	wrdreg s0;
	s8 =	simm.s32 $0x2  }
.LBB2_1:
0x13: {  	s19 =	rddreg [dreg:$0x4]  }
0x14: {  	[tilespmem:s3], [sflag:$0x2] =	stream.linear.gather [hbm4b:s19+s3], $0x40, $0x38;
	[tilespmem:$0x10080] =	vst v63  }
0x15: {  	_ =	swait.ge [sflag:s8], $0x40  }
0x16: {  	[sflag:s8] =	ssyncset.done $0x0  }
0x17: {  	[sflag:s8] =	ssyncadd.s32 $0xFFFFFFC0  }
0x18: {  	v3 =	vld [tilespmem:$0x0];
	_ =	sdelay $0x4  }
0x19: {  	v4 =	vshll.u32 v3, $0x3  }
0x1a: {  	v3 =	vand.u32 $0x7, v3;
	v4 =	vand.u32 $0xFFFFFFC0, v4  }
0x1b: {  	v3 =	vor.u32 v3, v4  }
0x1c: {  	v4 =	vperm.xlane v3, v0;
	_ =	sdelay $0x1  }
0x1d: {  	v4 =	vadd.s32 v1, v4;
	_ =	sdelay $0x4  }
0x1e: {  	[tilespmem:s23], [sflag:$0x1] =	stream.indirect_vreg.gather [hbm4b:s2+s3], $0x80, v4, vm0, $0xb8;
	[tilespmem:$0x10080] =	vst v63  }
0x1f: {  	s0 =	simm.s32 $0x880;
	v3 =	vperm.xlane v3, v2  }
0x20: {  	[tilespmem:s0], [sflag:$0x1] =	stream.indirect_vreg.gather [hbm4b:s4+s3], $0x80, v4, vm0, $0xb8;
	[tilespmem:$0x10080] =	vst v63  }
0x21: {  	s12 =	simm.s32 $0x1080;
	v3 =	vadd.s32 v1, v3  }
0x22: {  	[tilespmem:s12], [sflag:$0x1] =	stream.indirect_vreg.gather [hbm4b:s5+s3], $0x80, v4, vm0, $0xb8;
	[tilespmem:$0x10080] =	vst v63  }
0x23: {  	s13 =	simm.s32 $0x1880  }
0x24: {  	[tilespmem:s13], [sflag:$0x1] =	stream.indirect_vreg.gather [hbm4b:s6+s3], $0x80, v4, vm0, $0xb8;
	[tilespmem:$0x10080] =	vst v63  }
0x25: {  	s15 =	simm.s32 $0x2080  }
0x26: {  	[tilespmem:s15], [sflag:$0x1] =	stream.indirect_vreg.gather [hbm4b:s2+s3], $0x80, v3, vm0, $0xb8;
	[tilespmem:$0x10080] =	vst v63  }
0x27: {  	s16 =	simm.s32 $0x2880  }
0x28: {  	[tilespmem:s16], [sflag:$0x1] =	stream.indirect_vreg.gather [hbm4b:s4+s3], $0x80, v3, vm0, $0xb8;
	[tilespmem:$0x10080] =	vst v63  }
0x29: {  	s17 =	simm.s32 $0x3080  }
0x2a: {  	[tilespmem:s17], [sflag:$0x1] =	stream.indirect_vreg.gather [hbm4b:s5+s3], $0x80, v3, vm0, $0xb8;
	[tilespmem:$0x10080] =	vst v63  }
0x2b: {  	s19 =	simm.s32 $0x3880  }
0x2c: {  	[tilespmem:s19], [sflag:$0x1] =	stream.indirect_vreg.gather [hbm4b:s6+s3], $0x80, v3, vm0, $0xb8;
	[tilespmem:$0x10080] =	vst v63  }
0x2d: {  	v3 =	vld [tilespmem:$0x10];
	_ =	sdelay $0x4  }
0x2e: {  	v49 =	vshll.u32 v3, $0x3  }
0x2f: {  	v3 =	vand.u32 $0x7, v3;
	v4 =	vand.u32 $0xFFFFFFC0, v49  }
0x30: {  	v3 =	vor.u32 v3, v4  }
0x31: {  	v4 =	vperm.xlane v3, v0;
	_ =	sdelay $0x1  }
0x32: {  	v4 =	vadd.s32 v1, v4;
	_ =	sdelay $0x3  }
0x33: {  	s20 =	simm.s32 $0x4080  }
0x34: {  	[tilespmem:s20], [sflag:$0x1] =	stream.indirect_vreg.gather [hbm4b:s2+s3], $0x80, v4, vm0, $0xb8;
	[tilespmem:$0x10080] =	vst v63  }
0x35: {  	s21 =	simm.s32 $0x4880;
	v3 =	vperm.xlane v3, v2  }
0x36: {  	[tilespmem:s21], [sflag:$0x1] =	stream.indirect_vreg.gather [hbm4b:s4+s3], $0x80, v4, vm0, $0xb8;
	[tilespmem:$0x10080] =	vst v63  }
0x37: {  	s22 =	simm.s32 $0x5080;
	v3 =	vadd.s32 v1, v3  }
0x38: {  	[tilespmem:s22], [sflag:$0x1] =	stream.indirect_vreg.gather [hbm4b:s5+s3], $0x80, v4, vm0, $0xb8;
	[tilespmem:$0x10080] =	vst v63  }
0x39: {  	s24 =	simm.s32 $0x5880  }
0x3a: {  	[tilespmem:s24], [sflag:$0x1] =	stream.indirect_vreg.gather [hbm4b:s6+s3], $0x80, v4, vm0, $0xb8;
	[tilespmem:$0x10080] =	vst v63  }
0x3b: {  	s25 =	simm.s32 $0x6080  }
0x3c: {  	[tilespmem:s25], [sflag:$0x1] =	stream.indirect_vreg.gather [hbm4b:s2+s3], $0x80, v3, vm0, $0xb8;
	[tilespmem:$0x10080] =	vst v63  }
0x3d: {  	s26 =	simm.s32 $0x6880  }
0x3e: {  	[tilespmem:s26], [sflag:$0x1] =	stream.indirect_vreg.gather [hbm4b:s4+s3], $0x80, v3, vm0, $0xb8;
	[tilespmem:$0x10080] =	vst v63  }
0x3f: {  	s28 =	simm.s32 $0x7080  }
0x40: {  	[tilespmem:s28], [sflag:$0x1] =	stream.indirect_vreg.gather [hbm4b:s5+s3], $0x80, v3, vm0, $0xb8;
	[tilespmem:$0x10080] =	vst v63  }
0x41: {  	s29 =	simm.s32 $0x7880  }
0x42: {  	[tilespmem:s29], [sflag:$0x1] =	stream.indirect_vreg.gather [hbm4b:s6+s3], $0x80, v3, vm0, $0xb8;
	[tilespmem:$0x10080] =	vst v63  }
0x43: {  	v3 =	vld [tilespmem:$0x20];
	_ =	sdelay $0x4  }
0x44: {  	v50 =	vshll.u32 v3, $0x3  }
0x45: {  	v3 =	vand.u32 $0x7, v3;
	v4 =	vand.u32 $0xFFFFFFC0, v50  }
0x46: {  	v3 =	vor.u32 v3, v4  }
0x47: {  	v4 =	vperm.xlane v3, v0;
	_ =	sdelay $0x1  }
0x48: {  	v4 =	vadd.s32 v1, v4;
	_ =	sdelay $0x3  }
0x49: {  	s30 =	simm.s32 $0x8080  }
0x4a: {  	[tilespmem:s30], [sflag:$0x1] =	stream.indirect_vreg.gather [hbm4b:s2+s3], $0x80, v4, vm0, $0xb8;
	[tilespmem:$0x10080] =	vst v63  }
0x4b: {  	s16 =	simm.s32 $0x8880;
	v3 =	vperm.xlane v3, v2  }
0x4c: {  	[tilespmem:s16], [sflag:$0x1] =	stream.indirect_vreg.gather [hbm4b:s4+s3], $0x80, v4, vm0, $0xb8;
	[tilespmem:$0x10080] =	vst v63  }
0x4d: {  	s17 =	simm.s32 $0x9080;
	v3 =	vadd.s32 v1, v3  }
0x4e: {  	[tilespmem:s17], [sflag:$0x1] =	stream.indirect_vreg.gather [hbm4b:s5+s3], $0x80, v4, vm0, $0xb8;
	[tilespmem:$0x10080] =	vst v63  }
0x4f: {  	s19 =	simm.s32 $0x9880  }
0x50: {  	[tilespmem:s19], [sflag:$0x1] =	stream.indirect_vreg.gather [hbm4b:s6+s3], $0x80, v4, vm0, $0xb8;
	[tilespmem:$0x10080] =	vst v63  }
0x51: {  	s20 =	simm.s32 $0xA080  }
0x52: {  	[tilespmem:s20], [sflag:$0x1] =	stream.indirect_vreg.gather [hbm4b:s2+s3], $0x80, v3, vm0, $0xb8;
	[tilespmem:$0x10080] =	vst v63  }
0x53: {  	s21 =	simm.s32 $0xA880  }
0x54: {  	[tilespmem:s21], [sflag:$0x1] =	stream.indirect_vreg.gather [hbm4b:s4+s3], $0x80, v3, vm0, $0xb8;
	[tilespmem:$0x10080] =	vst v63  }
0x55: {  	s22 =	simm.s32 $0xB080  }
0x56: {  	[tilespmem:s22], [sflag:$0x1] =	stream.indirect_vreg.gather [hbm4b:s5+s3], $0x80, v3, vm0, $0xb8;
	[tilespmem:$0x10080] =	vst v63  }
0x57: {  	s24 =	simm.s32 $0xB880  }
0x58: {  	[tilespmem:s24], [sflag:$0x1] =	stream.indirect_vreg.gather [hbm4b:s6+s3], $0x80, v3, vm0, $0xb8;
	[tilespmem:$0x10080] =	vst v63  }
0x59: {  	v3 =	vld [tilespmem:$0x30];
	_ =	sdelay $0x4  }
0x5a: {  	v51 =	vshll.u32 v3, $0x3  }
0x5b: {  	v3 =	vand.u32 $0x7, v3;
	v4 =	vand.u32 $0xFFFFFFC0, v51  }
0x5c: {  	v3 =	vor.u32 v3, v4  }
0x5d: {  	v4 =	vperm.xlane v3, v0;
	_ =	sdelay $0x1  }
0x5e: {  	v4 =	vadd.s32 v1, v4;
	_ =	sdelay $0x3  }
0x5f: {  	s25 =	simm.s32 $0xC080  }
0x60: {  	[tilespmem:s25], [sflag:$0x1] =	stream.indirect_vreg.gather [hbm4b:s2+s3], $0x80, v4, vm0, $0xb8;
	[tilespmem:$0x10080] =	vst v63  }
0x61: {  	s26 =	simm.s32 $0xC880;
	v3 =	vperm.xlane v3, v2  }
0x62: {  	[tilespmem:s26], [sflag:$0x1] =	stream.indirect_vreg.gather [hbm4b:s4+s3], $0x80, v4, vm0, $0xb8;
	[tilespmem:$0x10080] =	vst v63  }
0x63: {  	s29 =	simm.s32 $0xD080;
	v3 =	vadd.s32 v1, v3  }
0x64: {  	[tilespmem:s29], [sflag:$0x1] =	stream.indirect_vreg.gather [hbm4b:s5+s3], $0x80, v4, vm0, $0xb8;
	[tilespmem:$0x10080] =	vst v63  }
0x65: {  	s0 =	simm.s32 $0xD880  }
0x66: {  	[tilespmem:s0], [sflag:$0x1] =	stream.indirect_vreg.gather [hbm4b:s6+s3], $0x80, v4, vm0, $0xb8;
	[tilespmem:$0x10080] =	vst v63  }
0x67: {  	s16 =	simm.s32 $0xE080  }
0x68: {  	[tilespmem:s16], [sflag:$0x1] =	stream.indirect_vreg.gather [hbm4b:s2+s3], $0x80, v3, vm0, $0xb8;
	[tilespmem:$0x10080] =	vst v63  }
0x69: {  	s17 =	simm.s32 $0xE880  }
0x6a: {  	[tilespmem:s17], [sflag:$0x1] =	stream.indirect_vreg.gather [hbm4b:s4+s3], $0x80, v3, vm0, $0xb8;
	[tilespmem:$0x10080] =	vst v63  }
0x6b: {  	s24 =	simm.s32 $0xF080  }
0x6c: {  	[tilespmem:s24], [sflag:$0x1] =	stream.indirect_vreg.gather [hbm4b:s5+s3], $0x80, v3, vm0, $0xb8;
	[tilespmem:$0x10080] =	vst v63  }
0x6d: {  	s25 =	simm.s32 $0xF880  }
0x6e: {  	[tilespmem:s25], [sflag:$0x1] =	stream.indirect_vreg.gather [hbm4b:s6+s3], $0x80, v3, vm0, $0xb8;
	[tilespmem:$0x10080] =	vst v63  }
0x6f: {  	_ =	swait.ge [sflag:s18], $0x10000  }
0x70: {  	[sflag:s18] =	ssyncset.done $0x0  }
0x71: {  	s0 =	rddreg [dreg:$0x5];
	[sflag:s18] =	ssyncadd.s32 $0xFFFF0000  }
0x72: {  	[hbm4b:s0+s3] =	stream.linear.scatter [tilespmem:s23], [sflag:$0x2], $0x10000, $0x38;
	[tilespmem:$0x10080] =	vst v63  }
0x73: {  	_ =	swait.ge [sflag:s8], $0x10000  }
0x74: {  	[sflag:s8] =	ssyncset.done $0x0  }
0x75: {  	s16 =	rddreg [dreg:$0x6];
	[sflag:s8] =	ssyncadd.s32 $0xFFFF0000  }
0x76: {  	[tilespmem:s3], [sflag:$0x2] =	stream.linear.gather [hbm4b:s16+s3], $0x40, $0x38;
	[tilespmem:$0x10080] =	vst v63  }
0x77: {  	_ =	swait.ge [sflag:s8], $0x40  }
0x78: {  	[sflag:s8] =	ssyncset.done $0x0  }
0x79: {  	[sflag:s8] =	ssyncadd.s32 $0xFFFFFFC0  }
0x7a: {  	v3 =	vld [tilespmem:$0x0];
	_ =	sdelay $0x4  }
0x7b: {  	v52 =	vshll.u32 v3, $0x3  }
0x7c: {  	v3 =	vand.u32 $0x7, v3;
	v4 =	vand.u32 $0xFFFFFFC0, v52  }
0x7d: {  	v3 =	vor.u32 v3, v4  }
0x7e: {  	v4 =	vperm.xlane v3, v0;
	_ =	sdelay $0x1  }
0x7f: {  	v4 =	vadd.s32 v1, v4;
	_ =	sdelay $0x4  }
0x80: {  	[tilespmem:s23], [sflag:$0x1] =	stream.indirect_vreg.gather [hbm4b:s2+s3], $0x80, v4, vm0, $0xb8;
	[tilespmem:$0x10080] =	vst v63  }
0x81: {  	s14 =	simm.s32 $0x880;
	v3 =	vperm.xlane v3, v2  }
0x82: {  	[tilespmem:s14], [sflag:$0x1] =	stream.indirect_vreg.gather [hbm4b:s4+s3], $0x80, v4, vm0, $0xb8;
	[tilespmem:$0x10080] =	vst v63  }
0x83: {  	s1 =	simm.s32 $0x1080;
	v3 =	vadd.s32 v1, v3  }
0x84: {  	[tilespmem:s1], [sflag:$0x1] =	stream.indirect_vreg.gather [hbm4b:s5+s3], $0x80, v4, vm0, $0xb8;
	[tilespmem:$0x10080] =	vst v63  }
0x85: {  	s9 =	simm.s32 $0x1880  }
0x86: {  	[tilespmem:s9], [sflag:$0x1] =	stream.indirect_vreg.gather [hbm4b:s6+s3], $0x80, v4, vm0, $0xb8;
	[tilespmem:$0x10080] =	vst v63  }
0x87: {  	s10 =	simm.s32 $0x2080  }
0x88: {  	[tilespmem:s10], [sflag:$0x1] =	stream.indirect_vreg.gather [hbm4b:s2+s3], $0x80, v3, vm0, $0xb8;
	[tilespmem:$0x10080] =	vst v63  }
0x89: {  	s11 =	simm.s32 $0x2880  }
0x8a: {  	[tilespmem:s11], [sflag:$0x1] =	stream.indirect_vreg.gather [hbm4b:s4+s3], $0x80, v3, vm0, $0xb8;
	[tilespmem:$0x10080] =	vst v63  }
0x8b: {  	s12 =	simm.s32 $0x3080  }
0x8c: {  	[tilespmem:s12], [sflag:$0x1] =	stream.indirect_vreg.gather [hbm4b:s5+s3], $0x80, v3, vm0, $0xb8;
	[tilespmem:$0x10080] =	vst v63  }
0x8d: {  	s15 =	simm.s32 $0x3880  }
0x8e: {  	[tilespmem:s15], [sflag:$0x1] =	stream.indirect_vreg.gather [hbm4b:s6+s3], $0x80, v3, vm0, $0xb8;
	[tilespmem:$0x10080] =	vst v63  }
0x8f: {  	v3 =	vld [tilespmem:$0x10];
	_ =	sdelay $0x4  }
0x90: {  	v53 =	vshll.u32 v3, $0x3  }
0x91: {  	v3 =	vand.u32 $0x7, v3;
	v4 =	vand.u32 $0xFFFFFFC0, v53  }
0x92: {  	v3 =	vor.u32 v3, v4  }
0x93: {  	v4 =	vperm.xlane v3, v0;
	_ =	sdelay $0x1  }
0x94: {  	v4 =	vadd.s32 v1, v4;
	_ =	sdelay $0x3  }
0x95: {  	s16 =	simm.s32 $0x4080  }
0x96: {  	[tilespmem:s16], [sflag:$0x1] =	stream.indirect_vreg.gather [hbm4b:s2+s3], $0x80, v4, vm0, $0xb8;
	[tilespmem:$0x10080] =	vst v63  }
0x97: {  	s31 =	simm.s32 $0x4880;
	v3 =	vperm.xlane v3, v2  }
0x98: {  	[tilespmem:s31], [sflag:$0x1] =	stream.indirect_vreg.gather [hbm4b:s4+s3], $0x80, v4, vm0, $0xb8;
	[tilespmem:$0x10080] =	vst v63  }
0x99: {  	s13 =	simm.s32 $0x5080;
	v3 =	vadd.s32 v1, v3  }
0x9a: {  	[tilespmem:s13], [sflag:$0x1] =	stream.indirect_vreg.gather [hbm4b:s5+s3], $0x80, v4, vm0, $0xb8;
	[tilespmem:$0x10080] =	vst v63  }
0x9b: {  	s31 =	simm.s32 $0x5880  }
0x9c: {  	[tilespmem:s31], [sflag:$0x1] =	stream.indirect_vreg.gather [hbm4b:s6+s3], $0x80, v4, vm0, $0xb8;
	[tilespmem:$0x10080] =	vst v63  }
0x9d: {  	s0 =	simm.s32 $0x6080  }
0x9e: {  	[tilespmem:s0], [sflag:$0x1] =	stream.indirect_vreg.gather [hbm4b:s2+s3], $0x80, v3, vm0, $0xb8;
	[tilespmem:$0x10080] =	vst v63  }
0x9f: {  	s1 =	simm.s32 $0x6880  }
0xa0: {  	[tilespmem:s1], [sflag:$0x1] =	stream.indirect_vreg.gather [hbm4b:s4+s3], $0x80, v3, vm0, $0xb8;
	[tilespmem:$0x10080] =	vst v63  }
0xa1: {  	s9 =	simm.s32 $0x7080  }
0xa2: {  	[tilespmem:s9], [sflag:$0x1] =	stream.indirect_vreg.gather [hbm4b:s5+s3], $0x80, v3, vm0, $0xb8;
	[tilespmem:$0x10080] =	vst v63  }
0xa3: {  	s13 =	simm.s32 $0x7880  }
0xa4: {  	[tilespmem:s13], [sflag:$0x1] =	stream.indirect_vreg.gather [hbm4b:s6+s3], $0x80, v3, vm0, $0xb8;
	[tilespmem:$0x10080] =	vst v63  }
0xa5: {  	v3 =	vld [tilespmem:$0x20];
	_ =	sdelay $0x4  }
0xa6: {  	v54 =	vshll.u32 v3, $0x3  }
0xa7: {  	v3 =	vand.u32 $0x7, v3;
	v4 =	vand.u32 $0xFFFFFFC0, v54  }
0xa8: {  	v3 =	vor.u32 v3, v4  }
0xa9: {  	v4 =	vperm.xlane v3, v0;
	_ =	sdelay $0x1  }
0xaa: {  	v4 =	vadd.s32 v1, v4;
	_ =	sdelay $0x3  }
0xab: {  	s14 =	simm.s32 $0x8080  }
0xac: {  	[tilespmem:s14], [sflag:$0x1] =	stream.indirect_vreg.gather [hbm4b:s2+s3], $0x80, v4, vm0, $0xb8;
	[tilespmem:$0x10080] =	vst v63  }
0xad: {  	s15 =	simm.s32 $0x8880;
	v3 =	vperm.xlane v3, v2  }
0xae: {  	[tilespmem:s15], [sflag:$0x1] =	stream.indirect_vreg.gather [hbm4b:s4+s3], $0x80, v4, vm0, $0xb8;
	[tilespmem:$0x10080] =	vst v63  }
0xaf: {  	s10 =	simm.s32 $0x9080;
	v3 =	vadd.s32 v1, v3  }
0xb0: {  	[tilespmem:s10], [sflag:$0x1] =	stream.indirect_vreg.gather [hbm4b:s5+s3], $0x80, v4, vm0, $0xb8;
	[tilespmem:$0x10080] =	vst v63  }
0xb1: {  	s11 =	simm.s32 $0x9880  }
0xb2: {  	[tilespmem:s11], [sflag:$0x1] =	stream.indirect_vreg.gather [hbm4b:s6+s3], $0x80, v4, vm0, $0xb8;
	[tilespmem:$0x10080] =	vst v63  }
0xb3: {  	s12 =	simm.s32 $0xA080  }
0xb4: {  	[tilespmem:s12], [sflag:$0x1] =	stream.indirect_vreg.gather [hbm4b:s2+s3], $0x80, v3, vm0, $0xb8;
	[tilespmem:$0x10080] =	vst v63  }
0xb5: {  	s30 =	simm.s32 $0xA880  }
0xb6: {  	[tilespmem:s30], [sflag:$0x1] =	stream.indirect_vreg.gather [hbm4b:s4+s3], $0x80, v3, vm0, $0xb8;
	[tilespmem:$0x10080] =	vst v63  }
0xb7: {  	s28 =	simm.s32 $0xB080  }
0xb8: {  	[tilespmem:s28], [sflag:$0x1] =	stream.indirect_vreg.gather [hbm4b:s5+s3], $0x80, v3, vm0, $0xb8;
	[tilespmem:$0x10080] =	vst v63  }
0xb9: {  	s20 =	simm.s32 $0xB880  }
0xba: {  	[tilespmem:s20], [sflag:$0x1] =	stream.indirect_vreg.gather [hbm4b:s6+s3], $0x80, v3, vm0, $0xb8;
	[tilespmem:$0x10080] =	vst v63  }
0xbb: {  	v3 =	vld [tilespmem:$0x30];
	_ =	sdelay $0x4  }
0xbc: {  	v55 =	vshll.u32 v3, $0x3  }
0xbd: {  	v3 =	vand.u32 $0x7, v3;
	v4 =	vand.u32 $0xFFFFFFC0, v55  }
0xbe: {  	v3 =	vor.u32 v3, v4  }
0xbf: {  	v4 =	vperm.xlane v3, v0;
	_ =	sdelay $0x1  }
0xc0: {  	v4 =	vadd.s32 v1, v4;
	_ =	sdelay $0x3  }
0xc1: {  	s21 =	simm.s32 $0xC080  }
0xc2: {  	[tilespmem:s21], [sflag:$0x1] =	stream.indirect_vreg.gather [hbm4b:s2+s3], $0x80, v4, vm0, $0xb8;
	[tilespmem:$0x10080] =	vst v63  }
0xc3: {  	s22 =	simm.s32 $0xC880;
	v3 =	vperm.xlane v3, v2  }
0xc4: {  	[tilespmem:s22], [sflag:$0x1] =	stream.indirect_vreg.gather [hbm4b:s4+s3], $0x80, v4, vm0, $0xb8;
	[tilespmem:$0x10080] =	vst v63  }
0xc5: {  	v3 =	vadd.s32 v1, v3;
	s22 =	simm.s32 $0xD080  }
0xc6: {  	[tilespmem:s22], [sflag:$0x1] =	stream.indirect_vreg.gather [hbm4b:s5+s3], $0x80, v4, vm0, $0xb8;
	[tilespmem:$0x10080] =	vst v63  }
0xc7: {  	s26 =	simm.s32 $0xD880  }
0xc8: {  	[tilespmem:s26], [sflag:$0x1] =	stream.indirect_vreg.gather [hbm4b:s6+s3], $0x80, v4, vm0, $0xb8;
	[tilespmem:$0x10080] =	vst v63  }
0xc9: {  	s29 =	simm.s32 $0xE080  }
0xca: {  	[tilespmem:s29], [sflag:$0x1] =	stream.indirect_vreg.gather [hbm4b:s2+s3], $0x80, v3, vm0, $0xb8;
	[tilespmem:$0x10080] =	vst v63  }
0xcb: {  	s26 =	simm.s32 $0xE880  }
0xcc: {  	[tilespmem:s26], [sflag:$0x1] =	stream.indirect_vreg.gather [hbm4b:s4+s3], $0x80, v3, vm0, $0xb8;
	[tilespmem:$0x10080] =	vst v63  }
0xcd: {  	s30 =	simm.s32 $0xF080  }
0xce: {  	[tilespmem:s30], [sflag:$0x1] =	stream.indirect_vreg.gather [hbm4b:s5+s3], $0x80, v3, vm0, $0xb8;
	[tilespmem:$0x10080] =	vst v63  }
0xcf: {  	s17 =	simm.s32 $0xF880  }
0xd0: {  	[tilespmem:s17], [sflag:$0x1] =	stream.indirect_vreg.gather [hbm4b:s6+s3], $0x80, v3, vm0, $0xb8;
	[tilespmem:$0x10080] =	vst v63  }
0xd1: {  	_ =	swait.ge [sflag:s18], $0x10000  }
0xd2: {  	[sflag:s18] =	ssyncset.done $0x0  }
0xd3: {  	s21 =	rddreg [dreg:$0x7];
	[sflag:s18] =	ssyncadd.s32 $0xFFFF0000  }
0xd4: {  	[hbm4b:s21+s3] =	stream.linear.scatter [tilespmem:s23], [sflag:$0x2], $0x10000, $0x38;
	[tilespmem:$0x10080] =	vst v63  }
0xd5: {  	_ =	swait.ge [sflag:s8], $0x10000  }
0xd6: {  	[sflag:s8] =	ssyncset.done $0x0  }
0xd7: {  	s17 =	rddreg [dreg:$0x8];
	[sflag:s8] =	ssyncadd.s32 $0xFFFF0000  }
0xd8: {  	[tilespmem:s3], [sflag:$0x2] =	stream.linear.gather [hbm4b:s17+s3], $0x40, $0x38;
	[tilespmem:$0x10080] =	vst v63  }
0xd9: {  	_ =	swait.ge [sflag:s8], $0x40  }
0xda: {  	[sflag:s8] =	ssyncset.done $0x0  }
0xdb: {  	[sflag:s8] =	ssyncadd.s32 $0xFFFFFFC0  }
0xdc: {  	v3 =	vld [tilespmem:$0x0];
	_ =	sdelay $0x4  }
0xdd: {  	v56 =	vshll.u32 v3, $0x3  }
0xde: {  	v3 =	vand.u32 $0x7, v3;
	v4 =	vand.u32 $0xFFFFFFC0, v56  }
0xdf: {  	v3 =	vor.u32 v3, v4  }
0xe0: {  	v4 =	vperm.xlane v3, v0;
	_ =	sdelay $0x1  }
0xe1: {  	v4 =	vadd.s32 v1, v4;
	_ =	sdelay $0x4  }
0xe2: {  	[tilespmem:s23], [sflag:$0x1] =	stream.indirect_vreg.gather [hbm4b:s2+s3], $0x80, v4, vm0, $0xb8;
	[tilespmem:$0x10080] =	vst v63  }
0xe3: {  	s21 =	simm.s32 $0x880;
	v3 =	vperm.xlane v3, v2  }
0xe4: {  	[tilespmem:s21], [sflag:$0x1] =	stream.indirect_vreg.gather [hbm4b:s4+s3], $0x80, v4, vm0, $0xb8;
	[tilespmem:$0x10080] =	vst v63  }
0xe5: {  	s25 =	simm.s32 $0x1080;
	v3 =	vadd.s32 v1, v3  }
0xe6: {  	[tilespmem:s25], [sflag:$0x1] =	stream.indirect_vreg.gather [hbm4b:s5+s3], $0x80, v4, vm0, $0xb8;
	[tilespmem:$0x10080] =	vst v63  }
0xe7: {  	s25 =	simm.s32 $0x1880  }
0xe8: {  	[tilespmem:s25], [sflag:$0x1] =	stream.indirect_vreg.gather [hbm4b:s6+s3], $0x80, v4, vm0, $0xb8;
	[tilespmem:$0x10080] =	vst v63  }
0xe9: {  	s19 =	simm.s32 $0x2080  }
0xea: {  	[tilespmem:s19], [sflag:$0x1] =	stream.indirect_vreg.gather [hbm4b:s2+s3], $0x80, v3, vm0, $0xb8;
	[tilespmem:$0x10080] =	vst v63  }
0xeb: {  	s25 =	simm.s32 $0x2880  }
0xec: {  	[tilespmem:s25], [sflag:$0x1] =	stream.indirect_vreg.gather [hbm4b:s4+s3], $0x80, v3, vm0, $0xb8;
	[tilespmem:$0x10080] =	vst v63  }
0xed: {  	s19 =	simm.s32 $0x3080  }
0xee: {  	[tilespmem:s19], [sflag:$0x1] =	stream.indirect_vreg.gather [hbm4b:s5+s3], $0x80, v3, vm0, $0xb8;
	[tilespmem:$0x10080] =	vst v63  }
0xef: {  	s25 =	simm.s32 $0x3880  }
0xf0: {  	[tilespmem:s25], [sflag:$0x1] =	stream.indirect_vreg.gather [hbm4b:s6+s3], $0x80, v3, vm0, $0xb8;
	[tilespmem:$0x10080] =	vst v63  }
0xf1: {  	v3 =	vld [tilespmem:$0x10];
	_ =	sdelay $0x4  }
0xf2: {  	v57 =	vshll.u32 v3, $0x3  }
0xf3: {  	v3 =	vand.u32 $0x7, v3;
	v4 =	vand.u32 $0xFFFFFFC0, v57  }
0xf4: {  	v3 =	vor.u32 v3, v4  }
0xf5: {  	v4 =	vperm.xlane v3, v0;
	_ =	sdelay $0x1  }
0xf6: {  	v4 =	vadd.s32 v1, v4;
	_ =	sdelay $0x4  }
0xf7: {  	[tilespmem:s16], [sflag:$0x1] =	stream.indirect_vreg.gather [hbm4b:s2+s3], $0x80, v4, vm0, $0xb8;
	[tilespmem:$0x10080] =	vst v63  }
0xf8: {  	s19 =	simm.s32 $0x4880;
	v3 =	vperm.xlane v3, v2  }
0xf9: {  	[tilespmem:s19], [sflag:$0x1] =	stream.indirect_vreg.gather [hbm4b:s4+s3], $0x80, v4, vm0, $0xb8;
	[tilespmem:$0x10080] =	vst v63  }
0xfa: {  	s25 =	simm.s32 $0x5080;
	v3 =	vadd.s32 v1, v3  }
0xfb: {  	[tilespmem:s25], [sflag:$0x1] =	stream.indirect_vreg.gather [hbm4b:s5+s3], $0x80, v4, vm0, $0xb8;
	[tilespmem:$0x10080] =	vst v63  }
0xfc: {  	_ = 	snop  }
0xfd: {  	[tilespmem:s31], [sflag:$0x1] =	stream.indirect_vreg.gather [hbm4b:s6+s3], $0x80, v4, vm0, $0xb8;
	[tilespmem:$0x10080] =	vst v63  }
0xfe: {  	_ = 	snop  }
0xff: {  	[tilespmem:s0], [sflag:$0x1] =	stream.indirect_vreg.gather [hbm4b:s2+s3], $0x80, v3, vm0, $0xb8;
	[tilespmem:$0x10080] =	vst v63  }
0x100: {  	_ = 	snop  }
0x101: {  	[tilespmem:s1], [sflag:$0x1] =	stream.indirect_vreg.gather [hbm4b:s4+s3], $0x80, v3, vm0, $0xb8;
	[tilespmem:$0x10080] =	vst v63  }
0x102: {  	_ = 	snop  }
0x103: {  	[tilespmem:s9], [sflag:$0x1] =	stream.indirect_vreg.gather [hbm4b:s5+s3], $0x80, v3, vm0, $0xb8;
	[tilespmem:$0x10080] =	vst v63  }
0x104: {  	_ = 	snop  }
0x105: {  	[tilespmem:s13], [sflag:$0x1] =	stream.indirect_vreg.gather [hbm4b:s6+s3], $0x80, v3, vm0, $0xb8;
	[tilespmem:$0x10080] =	vst v63  }
0x106: {  	v3 =	vld [tilespmem:$0x20];
	_ =	sdelay $0x4  }
0x107: {  	v58 =	vshll.u32 v3, $0x3  }
0x108: {  	v3 =	vand.u32 $0x7, v3;
	v4 =	vand.u32 $0xFFFFFFC0, v58  }
0x109: {  	v3 =	vor.u32 v3, v4  }
0x10a: {  	v4 =	vperm.xlane v3, v0;
	_ =	sdelay $0x1  }
0x10b: {  	v4 =	vadd.s32 v1, v4;
	_ =	sdelay $0x4  }
0x10c: {  	[tilespmem:s14], [sflag:$0x1] =	stream.indirect_vreg.gather [hbm4b:s2+s3], $0x80, v4, vm0, $0xb8;
	[tilespmem:$0x10080] =	vst v63  }
0x10d: {  	v3 =	vperm.xlane v3, v2  }
0x10e: {  	[tilespmem:s15], [sflag:$0x1] =	stream.indirect_vreg.gather [hbm4b:s4+s3], $0x80, v4, vm0, $0xb8;
	[tilespmem:$0x10080] =	vst v63  }
0x10f: {  	v3 =	vadd.s32 v1, v3  }
0x110: {  	[tilespmem:s10], [sflag:$0x1] =	stream.indirect_vreg.gather [hbm4b:s5+s3], $0x80, v4, vm0, $0xb8;
	[tilespmem:$0x10080] =	vst v63  }
0x111: {  	_ = 	snop  }
0x112: {  	[tilespmem:s11], [sflag:$0x1] =	stream.indirect_vreg.gather [hbm4b:s6+s3], $0x80, v4, vm0, $0xb8;
	[tilespmem:$0x10080] =	vst v63  }
0x113: {  	_ = 	snop  }
0x114: {  	[tilespmem:s12], [sflag:$0x1] =	stream.indirect_vreg.gather [hbm4b:s2+s3], $0x80, v3, vm0, $0xb8;
	[tilespmem:$0x10080] =	vst v63  }
0x115: {  	s24 =	simm.s32 $0xA880  }
0x116: {  	[tilespmem:s24], [sflag:$0x1] =	stream.indirect_vreg.gather [hbm4b:s4+s3], $0x80, v3, vm0, $0xb8;
	[tilespmem:$0x10080] =	vst v63  }
0x117: {  	s28 =	simm.s32 $0xB080  }
0x118: {  	[tilespmem:s28], [sflag:$0x1] =	stream.indirect_vreg.gather [hbm4b:s5+s3], $0x80, v3, vm0, $0xb8;
	[tilespmem:$0x10080] =	vst v63  }
0x119: {  	s28 =	simm.s32 $0xB880  }
0x11a: {  	[tilespmem:s28], [sflag:$0x1] =	stream.indirect_vreg.gather [hbm4b:s6+s3], $0x80, v3, vm0, $0xb8;
	[tilespmem:$0x10080] =	vst v63  }
0x11b: {  	v3 =	vld [tilespmem:$0x30];
	_ =	sdelay $0x4  }
0x11c: {  	v59 =	vshll.u32 v3, $0x3  }
0x11d: {  	v3 =	vand.u32 $0x7, v3;
	v4 =	vand.u32 $0xFFFFFFC0, v59  }
0x11e: {  	v3 =	vor.u32 v3, v4  }
0x11f: {  	v4 =	vperm.xlane v3, v0;
	_ =	sdelay $0x1  }
0x120: {  	v4 =	vadd.s32 v1, v4;
	_ =	sdelay $0x3  }
0x121: {  	s24 =	simm.s32 $0xC080  }
0x122: {  	[tilespmem:s24], [sflag:$0x1] =	stream.indirect_vreg.gather [hbm4b:s2+s3], $0x80, v4, vm0, $0xb8;
	[tilespmem:$0x10080] =	vst v63  }
0x123: {  	s25 =	simm.s32 $0xC880;
	v3 =	vperm.xlane v3, v2  }
0x124: {  	[tilespmem:s25], [sflag:$0x1] =	stream.indirect_vreg.gather [hbm4b:s4+s3], $0x80, v4, vm0, $0xb8;
	[tilespmem:$0x10080] =	vst v63  }
0x125: {  	s20 =	simm.s32 $0xD080;
	v3 =	vadd.s32 v1, v3  }
0x126: {  	[tilespmem:s20], [sflag:$0x1] =	stream.indirect_vreg.gather [hbm4b:s5+s3], $0x80, v4, vm0, $0xb8;
	[tilespmem:$0x10080] =	vst v63  }
0x127: {  	s22 =	simm.s32 $0xD880  }
0x128: {  	[tilespmem:s22], [sflag:$0x1] =	stream.indirect_vreg.gather [hbm4b:s6+s3], $0x80, v4, vm0, $0xb8;
	[tilespmem:$0x10080] =	vst v63  }
0x129: {  	s29 =	simm.s32 $0xE080  }
0x12a: {  	[tilespmem:s29], [sflag:$0x1] =	stream.indirect_vreg.gather [hbm4b:s2+s3], $0x80, v3, vm0, $0xb8;
	[tilespmem:$0x10080] =	vst v63  }
0x12b: {  	s26 =	simm.s32 $0xE880  }
0x12c: {  	[tilespmem:s26], [sflag:$0x1] =	stream.indirect_vreg.gather [hbm4b:s4+s3], $0x80, v3, vm0, $0xb8;
	[tilespmem:$0x10080] =	vst v63  }
0x12d: {  	s30 =	simm.s32 $0xF080  }
0x12e: {  	[tilespmem:s30], [sflag:$0x1] =	stream.indirect_vreg.gather [hbm4b:s5+s3], $0x80, v3, vm0, $0xb8;
	[tilespmem:$0x10080] =	vst v63  }
0x12f: {  	s26 =	simm.s32 $0xF880  }
0x130: {  	[tilespmem:s26], [sflag:$0x1] =	stream.indirect_vreg.gather [hbm4b:s6+s3], $0x80, v3, vm0, $0xb8;
	[tilespmem:$0x10080] =	vst v63  }
0x131: {  	_ =	swait.ge [sflag:s18], $0x10000  }
0x132: {  	[sflag:s18] =	ssyncset.done $0x0  }
0x133: {  	s29 =	rddreg [dreg:$0x9];
	[sflag:s18] =	ssyncadd.s32 $0xFFFF0000  }
0x134: {  	[hbm4b:s29+s3] =	stream.linear.scatter [tilespmem:s23], [sflag:$0x2], $0x10000, $0x38;
	[tilespmem:$0x10080] =	vst v63  }
0x135: {  	_ =	swait.ge [sflag:s8], $0x10000  }
0x136: {  	[sflag:s8] =	ssyncset.done $0x0  }
0x137: {  	s30 =	rddreg [dreg:$0xa];
	[sflag:s8] =	ssyncadd.s32 $0xFFFF0000  }
0x138: {  	[tilespmem:s3], [sflag:$0x2] =	stream.linear.gather [hbm4b:s30+s3], $0x40, $0x38;
	[tilespmem:$0x10080] =	vst v63  }
0x139: {  	_ =	swait.ge [sflag:s8], $0x40  }
0x13a: {  	[sflag:s8] =	ssyncset.done $0x0  }
0x13b: {  	[sflag:s8] =	ssyncadd.s32 $0xFFFFFFC0  }
0x13c: {  	v3 =	vld [tilespmem:$0x0];
	_ =	sdelay $0x4  }
0x13d: {  	v60 =	vshll.u32 v3, $0x3  }
0x13e: {  	v3 =	vand.u32 $0x7, v3;
	v4 =	vand.u32 $0xFFFFFFC0, v60  }
0x13f: {  	v3 =	vor.u32 v3, v4  }
0x140: {  	v4 =	vperm.xlane v3, v0;
	_ =	sdelay $0x1  }
0x141: {  	v4 =	vadd.s32 v1, v4;
	_ =	sdelay $0x4  }
0x142: {  	[tilespmem:s23], [sflag:$0x1] =	stream.indirect_vreg.gather [hbm4b:s2+s3], $0x80, v4, vm0, $0xb8;
	[tilespmem:$0x10080] =	vst v63  }
0x143: {  	s29 =	simm.s32 $0x880;
	v3 =	vperm.xlane v3, v2  }
0x144: {  	[tilespmem:s29], [sflag:$0x1] =	stream.indirect_vreg.gather [hbm4b:s4+s3], $0x80, v4, vm0, $0xb8;
	[tilespmem:$0x10080] =	vst v63  }
0x145: {  	s21 =	simm.s32 $0x1080;
	v3 =	vadd.s32 v1, v3  }
0x146: {  	[tilespmem:s21], [sflag:$0x1] =	stream.indirect_vreg.gather [hbm4b:s5+s3], $0x80, v4, vm0, $0xb8;
	[tilespmem:$0x10080] =	vst v63  }
0x147: {  	s30 =	simm.s32 $0x1880  }
0x148: {  	[tilespmem:s30], [sflag:$0x1] =	stream.indirect_vreg.gather [hbm4b:s6+s3], $0x80, v4, vm0, $0xb8;
	[tilespmem:$0x10080] =	vst v63  }
0x149: {  	s21 =	simm.s32 $0x2080  }
0x14a: {  	[tilespmem:s21], [sflag:$0x1] =	stream.indirect_vreg.gather [hbm4b:s2+s3], $0x80, v3, vm0, $0xb8;
	[tilespmem:$0x10080] =	vst v63  }
0x14b: {  	s29 =	simm.s32 $0x2880  }
0x14c: {  	[tilespmem:s29], [sflag:$0x1] =	stream.indirect_vreg.gather [hbm4b:s4+s3], $0x80, v3, vm0, $0xb8;
	[tilespmem:$0x10080] =	vst v63  }
0x14d: {  	s30 =	simm.s32 $0x3080  }
0x14e: {  	[tilespmem:s30], [sflag:$0x1] =	stream.indirect_vreg.gather [hbm4b:s5+s3], $0x80, v3, vm0, $0xb8;
	[tilespmem:$0x10080] =	vst v63  }
0x14f: {  	s21 =	simm.s32 $0x3880  }
0x150: {  	[tilespmem:s21], [sflag:$0x1] =	stream.indirect_vreg.gather [hbm4b:s6+s3], $0x80, v3, vm0, $0xb8;
	[tilespmem:$0x10080] =	vst v63  }
0x151: {  	v3 =	vld [tilespmem:$0x10];
	_ =	sdelay $0x4  }
0x152: {  	v61 =	vshll.u32 v3, $0x3  }
0x153: {  	v3 =	vand.u32 $0x7, v3;
	v4 =	vand.u32 $0xFFFFFFC0, v61  }
0x154: {  	v3 =	vor.u32 v3, v4  }
0x155: {  	v4 =	vperm.xlane v3, v0;
	_ =	sdelay $0x1  }
0x156: {  	v4 =	vadd.s32 v1, v4;
	_ =	sdelay $0x3  }
0x157: {  	s16 =	simm.s32 $0x4080  }
0x158: {  	[tilespmem:s16], [sflag:$0x1] =	stream.indirect_vreg.gather [hbm4b:s2+s3], $0x80, v4, vm0, $0xb8;
	[tilespmem:$0x10080] =	vst v63  }
0x159: {  	s29 =	simm.s32 $0x4880;
	v3 =	vperm.xlane v3, v2  }
0x15a: {  	[tilespmem:s29], [sflag:$0x1] =	stream.indirect_vreg.gather [hbm4b:s4+s3], $0x80, v4, vm0, $0xb8;
	[tilespmem:$0x10080] =	vst v63  }
0x15b: {  	s30 =	simm.s32 $0x5080;
	v3 =	vadd.s32 v1, v3  }
0x15c: {  	[tilespmem:s30], [sflag:$0x1] =	stream.indirect_vreg.gather [hbm4b:s5+s3], $0x80, v4, vm0, $0xb8;
	[tilespmem:$0x10080] =	vst v63  }
0x15d: {  	s17 =	simm.s32 $0x5880  }
0x15e: {  	[tilespmem:s17], [sflag:$0x1] =	stream.indirect_vreg.gather [hbm4b:s6+s3], $0x80, v4, vm0, $0xb8;
	[tilespmem:$0x10080] =	vst v63  }
0x15f: {  	s0 =	simm.s32 $0x6080  }
0x160: {  	[tilespmem:s0], [sflag:$0x1] =	stream.indirect_vreg.gather [hbm4b:s2+s3], $0x80, v3, vm0, $0xb8;
	[tilespmem:$0x10080] =	vst v63  }
0x161: {  	s1 =	simm.s32 $0x6880  }
0x162: {  	[tilespmem:s1], [sflag:$0x1] =	stream.indirect_vreg.gather [hbm4b:s4+s3], $0x80, v3, vm0, $0xb8;
	[tilespmem:$0x10080] =	vst v63  }
0x163: {  	s9 =	simm.s32 $0x7080  }
0x164: {  	[tilespmem:s9], [sflag:$0x1] =	stream.indirect_vreg.gather [hbm4b:s5+s3], $0x80, v3, vm0, $0xb8;
	[tilespmem:$0x10080] =	vst v63  }
0x165: {  	s13 =	simm.s32 $0x7880  }
0x166: {  	[tilespmem:s13], [sflag:$0x1] =	stream.indirect_vreg.gather [hbm4b:s6+s3], $0x80, v3, vm0, $0xb8;
	[tilespmem:$0x10080] =	vst v63  }
0x167: {  	v3 =	vld [tilespmem:$0x20];
	_ =	sdelay $0x4  }
0x168: {  	v62 =	vshll.u32 v3, $0x3  }
0x169: {  	v3 =	vand.u32 $0x7, v3;
	v4 =	vand.u32 $0xFFFFFFC0, v62  }
0x16a: {  	v3 =	vor.u32 v3, v4  }
0x16b: {  	v4 =	vperm.xlane v3, v0;
	_ =	sdelay $0x1  }
0x16c: {  	v4 =	vadd.s32 v1, v4;
	_ =	sdelay $0x3  }
0x16d: {  	s14 =	simm.s32 $0x8080  }
0x16e: {  	[tilespmem:s14], [sflag:$0x1] =	stream.indirect_vreg.gather [hbm4b:s2+s3], $0x80, v4, vm0, $0xb8;
	[tilespmem:$0x10080] =	vst v63  }
0x16f: {  	s15 =	simm.s32 $0x8880;
	v3 =	vperm.xlane v3, v2  }
0x170: {  	[tilespmem:s15], [sflag:$0x1] =	stream.indirect_vreg.gather [hbm4b:s4+s3], $0x80, v4, vm0, $0xb8;
	[tilespmem:$0x10080] =	vst v63  }
0x171: {  	s10 =	simm.s32 $0x9080;
	v3 =	vadd.s32 v1, v3  }
0x172: {  	[tilespmem:s10], [sflag:$0x1] =	stream.indirect_vreg.gather [hbm4b:s5+s3], $0x80, v4, vm0, $0xb8;
	[tilespmem:$0x10080] =	vst v63  }
0x173: {  	s11 =	simm.s32 $0x9880  }
0x174: {  	[tilespmem:s11], [sflag:$0x1] =	stream.indirect_vreg.gather [hbm4b:s6+s3], $0x80, v4, vm0, $0xb8;
	[tilespmem:$0x10080] =	vst v63  }
0x175: {  	s12 =	simm.s32 $0xA080  }
0x176: {  	[tilespmem:s12], [sflag:$0x1] =	stream.indirect_vreg.gather [hbm4b:s2+s3], $0x80, v3, vm0, $0xb8;
	[tilespmem:$0x10080] =	vst v63  }
0x177: {  	s31 =	simm.s32 $0xA880  }
0x178: {  	[tilespmem:s31], [sflag:$0x1] =	stream.indirect_vreg.gather [hbm4b:s4+s3], $0x80, v3, vm0, $0xb8;
	[tilespmem:$0x10080] =	vst v63  }
0x179: {  	s19 =	simm.s32 $0xB080  }
0x17a: {  	[tilespmem:s19], [sflag:$0x1] =	stream.indirect_vreg.gather [hbm4b:s5+s3], $0x80, v3, vm0, $0xb8;
	[tilespmem:$0x10080] =	vst v63  }
0x17b: {  	s21 =	simm.s32 $0xB880  }
0x17c: {  	[tilespmem:s21], [sflag:$0x1] =	stream.indirect_vreg.gather [hbm4b:s6+s3], $0x80, v3, vm0, $0xb8;
	[tilespmem:$0x10080] =	vst v63  }
0x17d: {  	v3 =	vld [tilespmem:$0x30];
	_ =	sdelay $0x4  }
0x17e: {  	v63 =	vshll.u32 v3, $0x3  }
0x17f: {  	v3 =	vand.u32 $0x7, v3;
	v4 =	vand.u32 $0xFFFFFFC0, v63  }
0x180: {  	v3 =	vor.u32 v3, v4  }
0x181: {  	v4 =	vperm.xlane v3, v0;
	_ =	sdelay $0x1  }
0x182: {  	v4 =	vadd.s32 v1, v4;
	_ =	sdelay $0x3  }
0x183: {  	s29 =	simm.s32 $0xC080  }
0x184: {  	[tilespmem:s29], [sflag:$0x1] =	stream.indirect_vreg.gather [hbm4b:s2+s3], $0x80, v4, vm0, $0xb8;
	[tilespmem:$0x10080] =	vst v63  }
0x185: {  	s30 =	simm.s32 $0xC880;
	v3 =	vperm.xlane v3, v2  }
0x186: {  	[tilespmem:s30], [sflag:$0x1] =	stream.indirect_vreg.gather [hbm4b:s4+s3], $0x80, v4, vm0, $0xb8;
	[tilespmem:$0x10080] =	vst v63  }
0x187: {  	s28 =	simm.s32 $0xD080;
	v3 =	vadd.s32 v1, v3  }
0x188: {  	[tilespmem:s28], [sflag:$0x1] =	stream.indirect_vreg.gather [hbm4b:s5+s3], $0x80, v4, vm0, $0xb8;
	[tilespmem:$0x10080] =	vst v63  }
0x189: {  	s20 =	simm.s32 $0xD880  }
0x18a: {  	[tilespmem:s20], [sflag:$0x1] =	stream.indirect_vreg.gather [hbm4b:s6+s3], $0x80, v4, vm0, $0xb8;
	[tilespmem:$0x10080] =	vst v63  }
0x18b: {  	s24 =	simm.s32 $0xE080  }
0x18c: {  	[tilespmem:s24], [sflag:$0x1] =	stream.indirect_vreg.gather [hbm4b:s2+s3], $0x80, v3, vm0, $0xb8;
	[tilespmem:$0x10080] =	vst v63  }
0x18d: {  	s22 =	simm.s32 $0xE880  }
0x18e: {  	[tilespmem:s22], [sflag:$0x1] =	stream.indirect_vreg.gather [hbm4b:s4+s3], $0x80, v3, vm0, $0xb8;
	[tilespmem:$0x10080] =	vst v63  }
0x18f: {  	s25 =	simm.s32 $0xF080  }
0x190: {  	[tilespmem:s25], [sflag:$0x1] =	stream.indirect_vreg.gather [hbm4b:s5+s3], $0x80, v3, vm0, $0xb8;
	[tilespmem:$0x10080] =	vst v63  }
0x191: {  	s26 =	simm.s32 $0xF880  }
0x192: {  	[tilespmem:s26], [sflag:$0x1] =	stream.indirect_vreg.gather [hbm4b:s6+s3], $0x80, v3, vm0, $0xb8;
	[tilespmem:$0x10080] =	vst v63  }
0x193: {  	_ =	swait.ge [sflag:s18], $0x10000  }
0x194: {  	p0 =	sne.s32 s7, $0x1;
	[sflag:s18] =	ssyncset.done $0x0  }
.Ltmp0:
0x195: {  	s31 =	rddreg [dreg:$0xb];
	[sflag:s18] =	ssyncadd.s32 $0xFFFF0000;
	(pc) =	sbr.rel @p0 .LBB2_1-.Ltmp0, $4  }
0x196: {  	[hbm4b:s31+s3] =	stream.linear.scatter [tilespmem:s23], [sflag:$0x2], $0x10000, $0x38;
	[tilespmem:$0x10080] =	vst v63  }
0x197: {  	_ =	swait.ge [sflag:s8], $0x10000  }
0x198: {  	[sflag:s8] =	ssyncset.done $0x0  }
0x199: {  	s7 =	sadd.s32 $0xFFFFFFFF, s7;
	[sflag:s8] =	ssyncadd.s32 $0xFFFF0000  }
0x19a: {  	_ =	sfence.sel $0x180000  }
0x19b: {  	[bflag:$0x0] =	sbarrier.arrive $0xFFFF  }
0x19c: {  	_ =	strace $0x9000004D  }
0x19d: {  	s0 =	stileid.u32;
	[bflag:$0x2] =	sbarrier.arrive $0xFFFF  }
0x19e: {  	p0 =	sne.s32 s0, $0x0;
	s0 =	rddreg [dreg:$0x3]  }
0x19f: {  	s0 =	sadd.s32 @!p0 $0x100000, s0  }
0x1a0: {  	[sflag:s0] =	ssyncadd.tile.s32 @!p0 $0x1;
	_ =	shalt  }
.Lfunc_end2:
_tile_overlayer_lowered:
.L_overlay_start_2:
0x1a1: {  	(tag) =	ssettag $0x2  }
0x1a2: {  	s0 =	rddreg [dreg:$0x0];
	s2 =	stileid.u32  }
0x1a3: {  	s1 =	rddreg [dreg:$0x1];
	p0 =	sne.s32 s2, $0x0  }
0x1a4: {  	s3 =	rddreg [dreg:$0x2];
	[bflag:$0x3] =	sbarrier.arrive $0xFFFF;
	s2 =	simm.s32 @!p0 $0x1C02  }
0x1a5: {  	[timem:s3], [sflag:s2] =	dma.local @!p0 [hbm:s0], s1  }
0x1a6: {  	s0 =	simm.s32 @!p0 $0x2  }
0x1a7: {  	_ =	swait.ge @!p0 [sflag:s0], s1  }
0x1a8: {  	s1 =	ssub.s32 @!p0 $0x0, s1;
	[sflag:s0] =	ssyncset.done @!p0 $0x0  }
0x1a9: {  	[sflag:s0] =	ssyncadd.s32 @!p0 s1  }
0x1aa: {  	[bflag:$0x3] =	sbarrier.arrive $0xFFFF  }
0x1ab: {  	_ =	shalt  }

// kernel: kernel.8.cloned.1.call-start
scs
__scs_entry_jumppad:
0x0: {  	(pc) =	sbr.rel $0x88, $3  }
0x1: {  	(tag) =	ssettag $0x0;
	lr =	simm.s32 $0x1  }
0x2: {  	[smem:$0x3F9D] =	sst lr;
	_ =	strace $0xD0000000  }
0x3: {  	_ = 	snop  }
0x4: {  	_ = 	snop  }
0x5: {  	_ = 	snop  }
0x6: {  	_ = 	snop  }
0x7: {  	_ = 	snop  }
__scs_overlays_trampoline_lowered:
0x8: {  	[smem:$0x3FAC] =	sst s0  }
0x9: {  	[smem:$0x3FAD] =	sst s1  }
0xa: {  	[smem:$0x3FAE] =	sst s2  }
0xb: {  	[smem:$0x3FAF] =	sst s3  }
0xc: {  	[smem:$0x3FB0] =	sst s4  }
0xd: {  	[smem:$0x3FB1] =	sst s5  }
0xe: {  	[smem:$0x3FB2] =	sst s6  }
0xf: {  	[smem:$0x3FB3] =	sst s7  }
0x10: {  	[smem:$0x3FB4] =	sst s8  }
0x11: {  	[smem:$0x3FB5] =	sst s9;
	s0 =	simm.s32 @!p0 $0x0  }
0x12: {  	s1 =	sld [smem:$0x3F9B];
	s0 =	simm.s32 @p0 $0x1  }
0x13: {  	[smem:$0x3FB6] =	sst s0;
	s0 =	simm.s32 @!p1 $0x0  }
0x14: {  	s2 =	sld [smem:$0x3F9A];
	s0 =	simm.s32 @p1 $0x1  }
0x15: {  	[smem:$0x3FB7] =	sst s0;
	s0 =	simm.s32 @!p2 $0x0  }
0x16: {  	s3 =	sld [smem:$0x3FDB];
	s0 =	simm.s32 @p2 $0x1  }
0x17: {  	s4 =	simm.s32 $0x1BF5;
	[smem:$0x3FB9] =	sst s0  }
0x18: {  	s0 =	sld [smem:$0x3F9C];
	_ =	swait.ge [sflag:s4], $0x0  }
0x19: {  	s7 =	sld [smem:$0x3F9D]  }
0x1a: {  	s8 =	sadd.s32 $0xFFFFE003, lr  }
0x1b: {  	s9 =	sadd.s32 $0xFFFFFEF7, lr;
	s5 =	simm.s32 $0xFFFFFFFF;
	p2 =	slt.u32 s8, $0xFFFFF086  }
0x1c: {  	p1 =	slt.u32 s9, $0xF7A;
	s5 =	simm.s32 @!p2 $0x0  }
0x1d: {  	s5 =	simm.s32 @p1 $0x1;
	p0 =	seq.s32 s7, s2  }
0x1e: {  	s7 =	smul.u32 @!p0 $0xF7A, s2;
	p2 =	seq.s32 @!p0 s5, $0x0  }
0x1f: {  	s9 =	smul.u32 $0xF7A, s1;
	s8 =	simm.s32 @!p0 $0x1BF5;
	p2 =	por !p2, p0  }
0x20: {  	[sflag:s8] =	ssyncset.s32 @!p0 $0xFFFFF086;
	s6 =	sadd.s32 @!p0 s3, s7;
	s7 =	simm.s32 @!p0 $0x108  }
0x21: {  	s3 =	sadd.s32 s3, s9;
	s6 =	sadd.s32 @!p0 $0x88, s6;
	s7 =	simm.s32 @p2 $0x1082  }
0x22: {  	[simem:s7], [sflag:s8] =	dma.local @!p0 [hbm:s6], $0xF7A  }
0x23: {  	s9 =	sor.u32 $0xD0000000, s2;
	s6 =	simm.s32 $0x108;
	_ =	swait.ge @!p0 [sflag:s8], $0x0  }
0x24: {  	s3 =	sadd.s32 $0x88, s3;
	s6 =	simm.s32 @!p1 $0x1082;
	[sflag:s4] =	ssyncset.s32 $0xFFFFF086  }
0x25: {  	[simem:s6], [sflag:s4] =	dma.local [hbm:s3], $0xF7A  }
0x26: {  	[smem:$0x3F9D] =	sst s1;
	(tag) =	ssettag s2;
	_ =	strace s9  }
0x27: {  	s1 =	sld [smem:$0x3FAD]  }
0x28: {  	s2 =	sld [smem:$0x3FAE]  }
0x29: {  	s4 =	sld [smem:$0x3FB0]  }
0x2a: {  	p0 =	seq.s32 s5, $0x0;
	s5 =	sld [smem:$0x3FB1]  }
0x2b: {  	s6 =	sld [smem:$0x3FB2]  }
0x2c: {  	s7 =	sld [smem:$0x3FB3]  }
0x2d: {  	s3 =	simm.s32 $0x108;
	s8 =	sld [smem:$0x3FB4]  }
0x2e: {  	s3 =	simm.s32 @!p0 $0x1082;
	s9 =	sld [smem:$0x3FB5]  }
0x2f: {  	lr =	sadd.s32 s0, s3;
	s0 =	sld [smem:$0x3FAC]  }
0x30: {  	s3 =	sld [smem:$0x3FAF]  }
0x31: {  	[smem:$0x3FB8] =	sst s10  }
0x32: {  	s10 =	sld [smem:$0x3FB6];
	_ =	sdelay $0x3  }
0x33: {  	p0 =	seq.s32 s10, $0x1;
	s10 =	sld [smem:$0x3FB8];
	_ =	sdelay $0x3  }
0x34: {  	[smem:$0x3FB8] =	sst s10  }
0x35: {  	s10 =	sld [smem:$0x3FB7];
	_ =	sdelay $0x3  }
0x36: {  	p1 =	seq.s32 s10, $0x1;
	s10 =	sld [smem:$0x3FB8];
	_ =	sdelay $0x3  }
0x37: {  	[smem:$0x3FB8] =	sst s10  }
0x38: {  	s10 =	sld [smem:$0x3FB9]  }
0x39: {  	_ = 	snop;
	(pc) =	sbr.ind lr, $3  }
0x3a: {  	_ = 	snop  }
0x3b: {  	_ = 	snop  }
0x3c: {  	p2 =	seq.s32 s10, $0x1;
	s10 =	sld [smem:$0x3FB8]  }
0x3d: {  	_ =	shalt  }
0x3e: {  	_ =	shalt  }
0x3f: {  	_ =	shalt  }
0x40: {  	_ =	shalt  }
0x41: {  	_ =	shalt  }
0x42: {  	_ =	shalt  }
0x43: {  	_ =	shalt  }
0x44: {  	_ =	shalt  }
0x45: {  	_ =	shalt  }
0x46: {  	_ =	shalt  }
0x47: {  	_ =	shalt  }
0x48: {  	_ =	shalt  }
0x49: {  	_ =	shalt  }
0x4a: {  	_ =	shalt  }
0x4b: {  	_ =	shalt  }
0x4c: {  	_ =	shalt  }
0x4d: {  	_ =	shalt  }
0x4e: {  	_ =	shalt  }
0x4f: {  	_ =	shalt  }
0x50: {  	_ =	shalt  }
0x51: {  	_ =	shalt  }
0x52: {  	_ =	shalt  }
0x53: {  	_ =	shalt  }
0x54: {  	_ =	shalt  }
0x55: {  	_ =	shalt  }
0x56: {  	_ =	shalt  }
0x57: {  	_ =	shalt  }
0x58: {  	_ =	shalt  }
0x59: {  	_ =	shalt  }
0x5a: {  	_ =	shalt  }
0x5b: {  	_ =	shalt  }
0x5c: {  	_ =	shalt  }
0x5d: {  	_ =	shalt  }
0x5e: {  	_ =	shalt  }
0x5f: {  	_ =	shalt  }
0x60: {  	_ =	shalt  }
0x61: {  	_ =	shalt  }
0x62: {  	_ =	shalt  }
0x63: {  	_ =	shalt  }
0x64: {  	_ =	shalt  }
0x65: {  	_ =	shalt  }
0x66: {  	_ =	shalt  }
0x67: {  	_ =	shalt  }
0x68: {  	_ =	shalt  }
0x69: {  	_ =	shalt  }
0x6a: {  	_ =	shalt  }
0x6b: {  	_ =	shalt  }
0x6c: {  	_ =	shalt  }
0x6d: {  	_ =	shalt  }
0x6e: {  	_ =	shalt  }
0x6f: {  	_ =	shalt  }
0x70: {  	_ =	shalt  }
0x71: {  	_ =	shalt  }
0x72: {  	_ =	shalt  }
0x73: {  	_ =	shalt  }
0x74: {  	_ =	shalt  }
0x75: {  	_ =	shalt  }
0x76: {  	_ =	shalt  }
0x77: {  	_ =	shalt  }
0x78: {  	_ =	shalt  }
0x79: {  	_ =	shalt  }
0x7a: {  	_ =	shalt  }
0x7b: {  	_ =	shalt  }
0x7c: {  	_ =	shalt  }
0x7d: {  	_ =	shalt  }
0x7e: {  	_ =	shalt  }
0x7f: {  	_ =	shalt  }
0x80: {  	_ =	shalt  }
0x81: {  	_ =	shalt  }
0x82: {  	_ =	shalt  }
0x83: {  	_ =	shalt  }
0x84: {  	_ =	shalt  }
0x85: {  	_ =	shalt  }
0x86: {  	_ =	shalt  }
0x87: {  	_ =	shalt  }
.Lfunc_end0:
.L_simem_size_0:
called_computation.3_lowered:
.L_overlay_start_0:
0x88: {  	s2 =	sld [smem:$0x3FD9]  }
0x89: {  	s3 =	sld [smem:$0x3FFE];
	_ =	sdelay $0x1  }
0x8a: {  	s1 =	srdreg.scid  }
0x8b: {  	s0 =	sand.u32 $0x1, s1  }
0x8c: {  	s16 =	sshll.u32 s0, $0xA;
	s2 =	sadd.s32 s3, s2  }
0x8d: {  	s2 =	sadd.s32 s2, s16  }
0x8e: {  	[smem:$0x3FC4] =	sst s2  }
0x8f: {  	_ = 	snop  }
0x90: {  	(tm) =	ssettm $0x1  }
0x91: {  	s17 =	sld [smem:$0x3FFB];
	_ =	sdelay $0x3  }
0x92: {  	_ =	strace s17  }
0x93: {  	s2 =	sld [smem:$0x3FFC];
	_ =	sdelay $0x3  }
0x94: {  	_ =	strace s2  }
0x95: {  	s2 =	sld [smem:$0x3FFD];
	_ =	sdelay $0x3  }
0x96: {  	_ =	strace s2  }
0x97: {  	_ =	strace $0x8FFFFFFF  }
0x98: {  	s18 =	sld [smem:$0x3FDB];
	_ =	sdelay $0x1  }
0x99: {  	s19 =	simm.s32 $_scs_section_size  }
0x9a: {  	s4 =	simm.s32 $_size__tile_overlayer_lowered;
	s5 =	simm.s32 $_tile_overlayer_lowered  }
0x9b: {  	s22 =	simm.s32 $0x1BFF;
	s21 =	sshll.u32 s5, $0x1;
	s2 =	sadd.s32 s19, s18  }
0x9c: {  	s6 =	simm.s32 $0x0;
	s20 =	sshll.u32 s4, $0x1;
	s4 =	sadd.s32 s21, s2  }
0x9d: {  	[timem:s6], [sflag:s22] =	dma.local [hbm:s4], s20  }
0x9e: {  	_ =	swait.ge [sflag:s22], s20  }
0x9f: {  	s3 =	ssub.s32 $0x0, s20;
	[sflag:s22] =	ssyncset.done $0x0  }
0xa0: {  	[sflag:s22] =	ssyncadd.s32 s3;
	_ =	sdelay $0x1  }
0xa1: {  	s23 =	simm.s32 $0x1B8B  }
0xa2: {  	_ =	swait.ge [sflag:s23], $0x1  }
0xa3: {  	[sflag:s23] =	ssyncset.done $0x0  }
0xa4: {  	s25 =	simm.s32 $0x1B8E;
	s24 =	sld [smem:$0x3FFE];
	[sflag:s23] =	ssyncadd.s32 $0xFFFFFFFF  }
0xa5: {  	s26 =	simm.s32 $execute0_lowered;
	[smem:$0x3FD2] =	sst s25  }
0xa6: {  	s4 =	sshll.u32 s26, $0x1;
	_ =	strace $0x8000004F;
	[dreg:$0x1] =	wrdreg $0xFFFFFFFF  }
0xa7: {  	s28 =	simm.s32 $_size_execute0_lowered;
	s2 =	sadd.s32 s2, s4;
	[dreg:$0x0] =	wrdreg $0x0  }
0xa8: {  	s4 =	sshll.u32 s28, $0x1;
	[dreg:$0x2] =	wrdreg s2  }
0xa9: {  	[dreg:$0x3] =	wrdreg s4  }
0xaa: {  	[dreg:$0x4] =	wrdreg $0xC0  }
0xab: {  	_ =	task [dreg:s6], $0x5FFFF  }
0xac: {  	[dreg:$0x1] =	wrdreg $0xFFFFFFFF  }
0xad: {  	[dreg:$0x0] =	wrdreg $0x60  }
0xae: {  	[dreg:$0x2] =	wrdreg s24  }
0xaf: {  	[dreg:$0x3] =	wrdreg $0x9  }
0xb0: {  	_ =	task.clear_ibuf [dreg:s6], $0x4FFFF;
	_ =	strace $0x9000004F  }
0xb1: {  	s29 =	simm.s32 $0x9;
	_ =	strace $0x80000051  }
0xb2: {  	_ =	swait.ge [sflag:s29], $0x1  }
0xb3: {  	[sflag:s29] =	ssyncadd.s32 $0xFFFFFFFF  }
0xb4: {  	_ =	strace $0x90000051  }
0xb5: {  	_ =	sfence  }
0xb6: {  	s30 =	sld [smem:$0x0];
	_ =	sdelay $0x2  }
0xb7: {  	s31 =	sshll.u32 s1, $0xD;
	s1 =	sshrl.u32 s1, $0x2  }
0xb8: {  	s3 =	sand.u32 $0x4000, s31;
	s1 =	sadd.s32 s1, s30  }
0xb9: {  	s0 =	sor.u32 s3, s0;
	s1 =	sshll.u32 s1, $0x11  }
0xba: {  	s0 =	sor.u32 s1, s0  }
0xbb: {  	s0 =	sadd.s32 $0x8F2B, s0  }
0xbc: {  	[sflag:s0] =	ssyncadd.remote.s32 $0x1  }
0xbd: {  	_ =	sfence.sel $0xFFFF  }
0xbe: {  	[dreg:$0x0] =	wrdreg $0xFFFFFFFF;
	(pc) =	sbr.abs _section_cstart, $3  }
0xbf: {  	[dreg:$0x1] =	wrdreg $0xFFFFFFFF  }
0xc0: {  	_ =	task.clear_ibuf [dreg:s6], $0x2FFFF;
	_ =	strace $0x9FFFFFFF  }
0xc1: {  	(tm) =	ssettm $0x7FFFFFFF  }
tec
execute0_lowered:
.L_overlay_start_1:
0x0: {  	(tag) =	ssettag $0x1  }
0x1: {  	s0 =	rddreg [dreg:$0x0]  }
0x2: {  	s1 =	srdreg.scid;
	s3 =	stileid.u32;
	s2 =	simm.s32 $0x0  }
0x3: {  	s18 =	simm.s32 $0x1;
	s20 =	simm.s32 $0x880;
	s21 =	simm.s32 $0x1080  }
0x4: {  	s22 =	simm.s32 $0x1880;
	s23 =	simm.s32 $0x2080;
	s28 =	simm.s32 $0x4080  }
0x5: {  	s29 =	simm.s32 $0x4880;
	s30 =	simm.s32 $0x5080;
	s31 =	simm.s32 $0x5880  }
0x6: {  	s10 =	simm.s32 $0x7080;
	s11 =	simm.s32 $0x7880;
	s12 =	simm.s32 $0x8080  }
0x7: {  	s13 =	simm.s32 $0x8880;
	s14 =	simm.s32 $0x9080;
	s15 =	simm.s32 $0x9880  }
0x8: {  	s16 =	simm.s32 $0xA080;
	s17 =	simm.s32 $0xA880;
	s1 =	sand.u32 $0x1, s1  }
0x9: {  	s3 =	sshll.u32 s3, $0x8;
	[smem:$0x7FF] =	sst s2;
	s6 =	sadd.s32 $0x100200, s0  }
0xa: {  	s4 =	sshll.u32 s1, $0x7;
	s1 =	ssub.s32 $0x2, s1;
	_ =	strace $0x80000050  }
0xb: {  	s5 =	sor.u32 s4, s3;
	s24 =	sshrl.u32 s1, $0x1;
	s4 =	sadd.s32 $0x100500, s0  }
0xc: {  	s3 =	sshrl.u32 s5, $0x3;
	s1 =	ssub.s32 s1, s24;
	s25 =	sshll.u32 s5, $0x7  }
0xd: {  	s8 =	sor.u32 $0x40, s5;
	s5 =	sadd.s32 $0x100600, s0;
	s24 =	simm.s32 $0x2880  }
0xe: {  	s7 =	sadd.s32 s6, s3;
	s3 =	sadd.s32 $0x100400, s0;
	s9 =	sshrl.u32 s8, $0x3  }
0xf: {  	s8 =	sshll.u32 s8, $0x7;
	[dreg:$0x2] =	wrdreg s7;
	s7 =	sadd.s32 s0, s25  }
0x10: {  	s26 =	sadd.s32 s6, s9;
	s6 =	sadd.s32 $0x100700, s0;
	[dreg:$0x3] =	wrdreg s7  }
0x11: {  	v2 =	vlaneseq.u32;
	s0 =	sadd.s32 s0, s8;
	s8 =	simm.s32 $0x2;
	[dreg:$0x4] =	wrdreg s26  }
0x12: {  	vm0 =	vmmov $0xffff;
	v1 =	vshrl.u32 v2, $0x3;
	s25 =	simm.s32 $0x3080;
	s9 =	simm.s32 $0xB080;
	[dreg:$0x5] =	wrdreg s0  }
0x13: {  	v0 =	vand.u32 $0x7, v2;
	v2 =	vor.u32 $0x8, v2;
	v1 =	vmul.u32 $0x8, v1;
	s7 =	smax.u32 s1, $0x1;
	s0 =	simm.s32 $0x80;
	s26 =	simm.s32 $0x3880  }
.LBB2_1:
0x14: {  	s19 =	rddreg [dreg:$0x2]  }
0x15: {  	[tilespmem:s2], [sflag:$0x2] =	stream.linear.gather [hbm4b:s19+s2], $0x40, $0x38;
	[tilespmem:$0x10080] =	vst v63  }
0x16: {  	_ =	swait.ge [sflag:s8], $0x40  }
0x17: {  	[sflag:s8] =	ssyncset.done $0x0  }
0x18: {  	[sflag:s8] =	ssyncadd.s32 $0xFFFFFFC0  }
0x19: {  	v3 =	vld [tilespmem:$0x0];
	_ =	sdelay $0x4  }
0x1a: {  	v4 =	vshll.u32 v3, $0x3  }
0x1b: {  	v3 =	vand.u32 $0x7, v3;
	v4 =	vand.u32 $0xFFFFFFC0, v4  }
0x1c: {  	v3 =	vor.u32 v3, v4  }
0x1d: {  	v4 =	vperm.xlane v3, v0;
	_ =	sdelay $0x1  }
0x1e: {  	v4 =	vadd.s32 v1, v4;
	_ =	sdelay $0x4  }
0x1f: {  	[tilespmem:s0], [sflag:$0x1] =	stream.indirect_vreg.gather [hbm4b:s3+s2], $0x80, v4, vm0, $0xb8;
	[tilespmem:$0x10080] =	vst v63  }
0x20: {  	v3 =	vperm.xlane v3, v2  }
0x21: {  	[tilespmem:s20], [sflag:$0x1] =	stream.indirect_vreg.gather [hbm4b:s4+s2], $0x80, v4, vm0, $0xb8;
	[tilespmem:$0x10080] =	vst v63  }
0x22: {  	v3 =	vadd.s32 v1, v3  }
0x23: {  	[tilespmem:s21], [sflag:$0x1] =	stream.indirect_vreg.gather [hbm4b:s5+s2], $0x80, v4, vm0, $0xb8;
	[tilespmem:$0x10080] =	vst v63  }
0x24: {  	_ = 	snop  }
0x25: {  	[tilespmem:s22], [sflag:$0x1] =	stream.indirect_vreg.gather [hbm4b:s6+s2], $0x80, v4, vm0, $0xb8;
	[tilespmem:$0x10080] =	vst v63  }
0x26: {  	_ = 	snop  }
0x27: {  	[tilespmem:s23], [sflag:$0x1] =	stream.indirect_vreg.gather [hbm4b:s3+s2], $0x80, v3, vm0, $0xb8;
	[tilespmem:$0x10080] =	vst v63  }
0x28: {  	_ = 	snop  }
0x29: {  	[tilespmem:s24], [sflag:$0x1] =	stream.indirect_vreg.gather [hbm4b:s4+s2], $0x80, v3, vm0, $0xb8;
	[tilespmem:$0x10080] =	vst v63  }
0x2a: {  	_ = 	snop  }
0x2b: {  	[tilespmem:s25], [sflag:$0x1] =	stream.indirect_vreg.gather [hbm4b:s5+s2], $0x80, v3, vm0, $0xb8;
	[tilespmem:$0x10080] =	vst v63  }
0x2c: {  	_ = 	snop  }
0x2d: {  	[tilespmem:s26], [sflag:$0x1] =	stream.indirect_vreg.gather [hbm4b:s6+s2], $0x80, v3, vm0, $0xb8;
	[tilespmem:$0x10080] =	vst v63  }
0x2e: {  	v3 =	vld [tilespmem:$0x10];
	_ =	sdelay $0x4  }
0x2f: {  	v57 =	vshll.u32 v3, $0x3  }
0x30: {  	v3 =	vand.u32 $0x7, v3;
	v4 =	vand.u32 $0xFFFFFFC0, v57  }
0x31: {  	v3 =	vor.u32 v3, v4  }
0x32: {  	v4 =	vperm.xlane v3, v0;
	_ =	sdelay $0x1  }
0x33: {  	v4 =	vadd.s32 v1, v4;
	_ =	sdelay $0x4  }
0x34: {  	[tilespmem:s28], [sflag:$0x1] =	stream.indirect_vreg.gather [hbm4b:s3+s2], $0x80, v4, vm0, $0xb8;
	[tilespmem:$0x10080] =	vst v63  }
0x35: {  	v3 =	vperm.xlane v3, v2  }
0x36: {  	[tilespmem:s29], [sflag:$0x1] =	stream.indirect_vreg.gather [hbm4b:s4+s2], $0x80, v4, vm0, $0xb8;
	[tilespmem:$0x10080] =	vst v63  }
0x37: {  	v3 =	vadd.s32 v1, v3  }
0x38: {  	[tilespmem:s30], [sflag:$0x1] =	stream.indirect_vreg.gather [hbm4b:s5+s2], $0x80, v4, vm0, $0xb8;
	[tilespmem:$0x10080] =	vst v63  }
0x39: {  	_ = 	snop  }
0x3a: {  	[tilespmem:s31], [sflag:$0x1] =	stream.indirect_vreg.gather [hbm4b:s6+s2], $0x80, v4, vm0, $0xb8;
	[tilespmem:$0x10080] =	vst v63  }
0x3b: {  	s1 =	simm.s32 $0x6080  }
0x3c: {  	[tilespmem:s1], [sflag:$0x1] =	stream.indirect_vreg.gather [hbm4b:s3+s2], $0x80, v3, vm0, $0xb8;
	[tilespmem:$0x10080] =	vst v63  }
0x3d: {  	s1 =	simm.s32 $0x6880  }
0x3e: {  	[tilespmem:s1], [sflag:$0x1] =	stream.indirect_vreg.gather [hbm4b:s4+s2], $0x80, v3, vm0, $0xb8;
	[tilespmem:$0x10080] =	vst v63  }
0x3f: {  	_ = 	snop  }
0x40: {  	[tilespmem:s10], [sflag:$0x1] =	stream.indirect_vreg.gather [hbm4b:s5+s2], $0x80, v3, vm0, $0xb8;
	[tilespmem:$0x10080] =	vst v63  }
0x41: {  	_ = 	snop  }
0x42: {  	[tilespmem:s11], [sflag:$0x1] =	stream.indirect_vreg.gather [hbm4b:s6+s2], $0x80, v3, vm0, $0xb8;
	[tilespmem:$0x10080] =	vst v63  }
0x43: {  	v3 =	vld [tilespmem:$0x20];
	_ =	sdelay $0x4  }
0x44: {  	v58 =	vshll.u32 v3, $0x3  }
0x45: {  	v3 =	vand.u32 $0x7, v3;
	v4 =	vand.u32 $0xFFFFFFC0, v58  }
0x46: {  	v3 =	vor.u32 v3, v4  }
0x47: {  	v4 =	vperm.xlane v3, v0;
	_ =	sdelay $0x1  }
0x48: {  	v4 =	vadd.s32 v1, v4;
	_ =	sdelay $0x4  }
0x49: {  	[tilespmem:s12], [sflag:$0x1] =	stream.indirect_vreg.gather [hbm4b:s3+s2], $0x80, v4, vm0, $0xb8;
	[tilespmem:$0x10080] =	vst v63  }
0x4a: {  	v3 =	vperm.xlane v3, v2  }
0x4b: {  	[tilespmem:s13], [sflag:$0x1] =	stream.indirect_vreg.gather [hbm4b:s4+s2], $0x80, v4, vm0, $0xb8;
	[tilespmem:$0x10080] =	vst v63  }
0x4c: {  	v3 =	vadd.s32 v1, v3  }
0x4d: {  	[tilespmem:s14], [sflag:$0x1] =	stream.indirect_vreg.gather [hbm4b:s5+s2], $0x80, v4, vm0, $0xb8;
	[tilespmem:$0x10080] =	vst v63  }
0x4e: {  	_ = 	snop  }
0x4f: {  	[tilespmem:s15], [sflag:$0x1] =	stream.indirect_vreg.gather [hbm4b:s6+s2], $0x80, v4, vm0, $0xb8;
	[tilespmem:$0x10080] =	vst v63  }
0x50: {  	_ = 	snop  }
0x51: {  	[tilespmem:s16], [sflag:$0x1] =	stream.indirect_vreg.gather [hbm4b:s3+s2], $0x80, v3, vm0, $0xb8;
	[tilespmem:$0x10080] =	vst v63  }
0x52: {  	_ = 	snop  }
0x53: {  	[tilespmem:s17], [sflag:$0x1] =	stream.indirect_vreg.gather [hbm4b:s4+s2], $0x80, v3, vm0, $0xb8;
	[tilespmem:$0x10080] =	vst v63  }
0x54: {  	_ = 	snop  }
0x55: {  	[tilespmem:s9], [sflag:$0x1] =	stream.indirect_vreg.gather [hbm4b:s5+s2], $0x80, v3, vm0, $0xb8;
	[tilespmem:$0x10080] =	vst v63  }
0x56: {  	s19 =	simm.s32 $0xB880  }
0x57: {  	[tilespmem:s19], [sflag:$0x1] =	stream.indirect_vreg.gather [hbm4b:s6+s2], $0x80, v3, vm0, $0xb8;
	[tilespmem:$0x10080] =	vst v63  }
0x58: {  	v3 =	vld [tilespmem:$0x30];
	_ =	sdelay $0x4  }
0x59: {  	v59 =	vshll.u32 v3, $0x3  }
0x5a: {  	v3 =	vand.u32 $0x7, v3;
	v4 =	vand.u32 $0xFFFFFFC0, v59  }
0x5b: {  	v3 =	vor.u32 v3, v4  }
0x5c: {  	v4 =	vperm.xlane v3, v0;
	_ =	sdelay $0x1  }
0x5d: {  	v4 =	vadd.s32 v1, v4;
	_ =	sdelay $0x3  }
0x5e: {  	s19 =	simm.s32 $0xC080  }
0x5f: {  	[tilespmem:s19], [sflag:$0x1] =	stream.indirect_vreg.gather [hbm4b:s3+s2], $0x80, v4, vm0, $0xb8;
	[tilespmem:$0x10080] =	vst v63  }
0x60: {  	v3 =	vperm.xlane v3, v2;
	s19 =	simm.s32 $0xC880  }
0x61: {  	[tilespmem:s19], [sflag:$0x1] =	stream.indirect_vreg.gather [hbm4b:s4+s2], $0x80, v4, vm0, $0xb8;
	[tilespmem:$0x10080] =	vst v63  }
0x62: {  	v3 =	vadd.s32 v1, v3;
	s19 =	simm.s32 $0xD080  }
0x63: {  	[tilespmem:s19], [sflag:$0x1] =	stream.indirect_vreg.gather [hbm4b:s5+s2], $0x80, v4, vm0, $0xb8;
	[tilespmem:$0x10080] =	vst v63  }
0x64: {  	s19 =	simm.s32 $0xD880  }
0x65: {  	[tilespmem:s19], [sflag:$0x1] =	stream.indirect_vreg.gather [hbm4b:s6+s2], $0x80, v4, vm0, $0xb8;
	[tilespmem:$0x10080] =	vst v63  }
0x66: {  	s19 =	simm.s32 $0xE080  }
0x67: {  	[tilespmem:s19], [sflag:$0x1] =	stream.indirect_vreg.gather [hbm4b:s3+s2], $0x80, v3, vm0, $0xb8;
	[tilespmem:$0x10080] =	vst v63  }
0x68: {  	s19 =	simm.s32 $0xE880  }
0x69: {  	[tilespmem:s19], [sflag:$0x1] =	stream.indirect_vreg.gather [hbm4b:s4+s2], $0x80, v3, vm0, $0xb8;
	[tilespmem:$0x10080] =	vst v63  }
0x6a: {  	s19 =	simm.s32 $0xF080  }
0x6b: {  	[tilespmem:s19], [sflag:$0x1] =	stream.indirect_vreg.gather [hbm4b:s5+s2], $0x80, v3, vm0, $0xb8;
	[tilespmem:$0x10080] =	vst v63  }
0x6c: {  	s19 =	simm.s32 $0xF880  }
0x6d: {  	[tilespmem:s19], [sflag:$0x1] =	stream.indirect_vreg.gather [hbm4b:s6+s2], $0x80, v3, vm0, $0xb8;
	[tilespmem:$0x10080] =	vst v63  }
0x6e: {  	_ =	swait.ge [sflag:s18], $0x10000  }
0x6f: {  	[sflag:s18] =	ssyncset.done $0x0  }
0x70: {  	s19 =	rddreg [dreg:$0x3];
	[sflag:s18] =	ssyncadd.s32 $0xFFFF0000  }
0x71: {  	[hbm4b:s19+s2] =	stream.linear.scatter [tilespmem:s0], [sflag:$0x2], $0x10000, $0x38;
	[tilespmem:$0x10080] =	vst v63  }
0x72: {  	_ =	swait.ge [sflag:s8], $0x10000  }
0x73: {  	[sflag:s8] =	ssyncset.done $0x0  }
0x74: {  	s19 =	rddreg [dreg:$0x4];
	[sflag:s8] =	ssyncadd.s32 $0xFFFF0000  }
0x75: {  	[tilespmem:s2], [sflag:$0x2] =	stream.linear.gather [hbm4b:s19+s2], $0x40, $0x38;
	[tilespmem:$0x10080] =	vst v63  }
0x76: {  	_ =	swait.ge [sflag:s8], $0x40  }
0x77: {  	[sflag:s8] =	ssyncset.done $0x0  }
0x78: {  	[sflag:s8] =	ssyncadd.s32 $0xFFFFFFC0  }
0x79: {  	v3 =	vld [tilespmem:$0x0];
	_ =	sdelay $0x4  }
0x7a: {  	v60 =	vshll.u32 v3, $0x3  }
0x7b: {  	v3 =	vand.u32 $0x7, v3;
	v4 =	vand.u32 $0xFFFFFFC0, v60  }
0x7c: {  	v3 =	vor.u32 v3, v4  }
0x7d: {  	v4 =	vperm.xlane v3, v0;
	_ =	sdelay $0x1  }
0x7e: {  	v4 =	vadd.s32 v1, v4;
	_ =	sdelay $0x4  }
0x7f: {  	[tilespmem:s0], [sflag:$0x1] =	stream.indirect_vreg.gather [hbm4b:s3+s2], $0x80, v4, vm0, $0xb8;
	[tilespmem:$0x10080] =	vst v63  }
0x80: {  	v3 =	vperm.xlane v3, v2  }
0x81: {  	[tilespmem:s20], [sflag:$0x1] =	stream.indirect_vreg.gather [hbm4b:s4+s2], $0x80, v4, vm0, $0xb8;
	[tilespmem:$0x10080] =	vst v63  }
0x82: {  	v3 =	vadd.s32 v1, v3  }
0x83: {  	[tilespmem:s21], [sflag:$0x1] =	stream.indirect_vreg.gather [hbm4b:s5+s2], $0x80, v4, vm0, $0xb8;
	[tilespmem:$0x10080] =	vst v63  }
0x84: {  	_ = 	snop  }
0x85: {  	[tilespmem:s22], [sflag:$0x1] =	stream.indirect_vreg.gather [hbm4b:s6+s2], $0x80, v4, vm0, $0xb8;
	[tilespmem:$0x10080] =	vst v63  }
0x86: {  	_ = 	snop  }
0x87: {  	[tilespmem:s23], [sflag:$0x1] =	stream.indirect_vreg.gather [hbm4b:s3+s2], $0x80, v3, vm0, $0xb8;
	[tilespmem:$0x10080] =	vst v63  }
0x88: {  	_ = 	snop  }
0x89: {  	[tilespmem:s24], [sflag:$0x1] =	stream.indirect_vreg.gather [hbm4b:s4+s2], $0x80, v3, vm0, $0xb8;
	[tilespmem:$0x10080] =	vst v63  }
0x8a: {  	_ = 	snop  }
0x8b: {  	[tilespmem:s25], [sflag:$0x1] =	stream.indirect_vreg.gather [hbm4b:s5+s2], $0x80, v3, vm0, $0xb8;
	[tilespmem:$0x10080] =	vst v63  }
0x8c: {  	_ = 	snop  }
0x8d: {  	[tilespmem:s26], [sflag:$0x1] =	stream.indirect_vreg.gather [hbm4b:s6+s2], $0x80, v3, vm0, $0xb8;
	[tilespmem:$0x10080] =	vst v63  }
0x8e: {  	v3 =	vld [tilespmem:$0x10];
	_ =	sdelay $0x4  }
0x8f: {  	v61 =	vshll.u32 v3, $0x3  }
0x90: {  	v3 =	vand.u32 $0x7, v3;
	v4 =	vand.u32 $0xFFFFFFC0, v61  }
0x91: {  	v3 =	vor.u32 v3, v4  }
0x92: {  	v4 =	vperm.xlane v3, v0;
	_ =	sdelay $0x1  }
0x93: {  	v4 =	vadd.s32 v1, v4;
	_ =	sdelay $0x4  }
0x94: {  	[tilespmem:s28], [sflag:$0x1] =	stream.indirect_vreg.gather [hbm4b:s3+s2], $0x80, v4, vm0, $0xb8;
	[tilespmem:$0x10080] =	vst v63  }
0x95: {  	v3 =	vperm.xlane v3, v2  }
0x96: {  	[tilespmem:s29], [sflag:$0x1] =	stream.indirect_vreg.gather [hbm4b:s4+s2], $0x80, v4, vm0, $0xb8;
	[tilespmem:$0x10080] =	vst v63  }
0x97: {  	v3 =	vadd.s32 v1, v3  }
0x98: {  	[tilespmem:s30], [sflag:$0x1] =	stream.indirect_vreg.gather [hbm4b:s5+s2], $0x80, v4, vm0, $0xb8;
	[tilespmem:$0x10080] =	vst v63  }
0x99: {  	_ = 	snop  }
0x9a: {  	[tilespmem:s31], [sflag:$0x1] =	stream.indirect_vreg.gather [hbm4b:s6+s2], $0x80, v4, vm0, $0xb8;
	[tilespmem:$0x10080] =	vst v63  }
0x9b: {  	s19 =	simm.s32 $0x6080  }
0x9c: {  	[tilespmem:s19], [sflag:$0x1] =	stream.indirect_vreg.gather [hbm4b:s3+s2], $0x80, v3, vm0, $0xb8;
	[tilespmem:$0x10080] =	vst v63  }
0x9d: {  	_ = 	snop  }
0x9e: {  	[tilespmem:s1], [sflag:$0x1] =	stream.indirect_vreg.gather [hbm4b:s4+s2], $0x80, v3, vm0, $0xb8;
	[tilespmem:$0x10080] =	vst v63  }
0x9f: {  	_ = 	snop  }
0xa0: {  	[tilespmem:s10], [sflag:$0x1] =	stream.indirect_vreg.gather [hbm4b:s5+s2], $0x80, v3, vm0, $0xb8;
	[tilespmem:$0x10080] =	vst v63  }
0xa1: {  	_ = 	snop  }
0xa2: {  	[tilespmem:s11], [sflag:$0x1] =	stream.indirect_vreg.gather [hbm4b:s6+s2], $0x80, v3, vm0, $0xb8;
	[tilespmem:$0x10080] =	vst v63  }
0xa3: {  	v3 =	vld [tilespmem:$0x20];
	_ =	sdelay $0x4  }
0xa4: {  	v62 =	vshll.u32 v3, $0x3  }
0xa5: {  	v3 =	vand.u32 $0x7, v3;
	v4 =	vand.u32 $0xFFFFFFC0, v62  }
0xa6: {  	v3 =	vor.u32 v3, v4  }
0xa7: {  	v4 =	vperm.xlane v3, v0;
	_ =	sdelay $0x1  }
0xa8: {  	v4 =	vadd.s32 v1, v4;
	_ =	sdelay $0x4  }
0xa9: {  	[tilespmem:s12], [sflag:$0x1] =	stream.indirect_vreg.gather [hbm4b:s3+s2], $0x80, v4, vm0, $0xb8;
	[tilespmem:$0x10080] =	vst v63  }
0xaa: {  	v3 =	vperm.xlane v3, v2  }
0xab: {  	[tilespmem:s13], [sflag:$0x1] =	stream.indirect_vreg.gather [hbm4b:s4+s2], $0x80, v4, vm0, $0xb8;
	[tilespmem:$0x10080] =	vst v63  }
0xac: {  	v3 =	vadd.s32 v1, v3  }
0xad: {  	[tilespmem:s14], [sflag:$0x1] =	stream.indirect_vreg.gather [hbm4b:s5+s2], $0x80, v4, vm0, $0xb8;
	[tilespmem:$0x10080] =	vst v63  }
0xae: {  	_ = 	snop  }
0xaf: {  	[tilespmem:s15], [sflag:$0x1] =	stream.indirect_vreg.gather [hbm4b:s6+s2], $0x80, v4, vm0, $0xb8;
	[tilespmem:$0x10080] =	vst v63  }
0xb0: {  	_ = 	snop  }
0xb1: {  	[tilespmem:s16], [sflag:$0x1] =	stream.indirect_vreg.gather [hbm4b:s3+s2], $0x80, v3, vm0, $0xb8;
	[tilespmem:$0x10080] =	vst v63  }
0xb2: {  	_ = 	snop  }
0xb3: {  	[tilespmem:s17], [sflag:$0x1] =	stream.indirect_vreg.gather [hbm4b:s4+s2], $0x80, v3, vm0, $0xb8;
	[tilespmem:$0x10080] =	vst v63  }
0xb4: {  	_ = 	snop  }
0xb5: {  	[tilespmem:s9], [sflag:$0x1] =	stream.indirect_vreg.gather [hbm4b:s5+s2], $0x80, v3, vm0, $0xb8;
	[tilespmem:$0x10080] =	vst v63  }
0xb6: {  	s19 =	simm.s32 $0xB880  }
0xb7: {  	[tilespmem:s19], [sflag:$0x1] =	stream.indirect_vreg.gather [hbm4b:s6+s2], $0x80, v3, vm0, $0xb8;
	[tilespmem:$0x10080] =	vst v63  }
0xb8: {  	v3 =	vld [tilespmem:$0x30];
	_ =	sdelay $0x4  }
0xb9: {  	v63 =	vshll.u32 v3, $0x3  }
0xba: {  	v3 =	vand.u32 $0x7, v3;
	v4 =	vand.u32 $0xFFFFFFC0, v63  }
0xbb: {  	v3 =	vor.u32 v3, v4  }
0xbc: {  	v4 =	vperm.xlane v3, v0;
	_ =	sdelay $0x1  }
0xbd: {  	v4 =	vadd.s32 v1, v4;
	_ =	sdelay $0x3  }
0xbe: {  	s19 =	simm.s32 $0xC080  }
0xbf: {  	[tilespmem:s19], [sflag:$0x1] =	stream.indirect_vreg.gather [hbm4b:s3+s2], $0x80, v4, vm0, $0xb8;
	[tilespmem:$0x10080] =	vst v63  }
0xc0: {  	v3 =	vperm.xlane v3, v2;
	s19 =	simm.s32 $0xC880  }
0xc1: {  	[tilespmem:s19], [sflag:$0x1] =	stream.indirect_vreg.gather [hbm4b:s4+s2], $0x80, v4, vm0, $0xb8;
	[tilespmem:$0x10080] =	vst v63  }
0xc2: {  	v3 =	vadd.s32 v1, v3;
	s19 =	simm.s32 $0xD080  }
0xc3: {  	[tilespmem:s19], [sflag:$0x1] =	stream.indirect_vreg.gather [hbm4b:s5+s2], $0x80, v4, vm0, $0xb8;
	[tilespmem:$0x10080] =	vst v63  }
0xc4: {  	s19 =	simm.s32 $0xD880  }
0xc5: {  	[tilespmem:s19], [sflag:$0x1] =	stream.indirect_vreg.gather [hbm4b:s6+s2], $0x80, v4, vm0, $0xb8;
	[tilespmem:$0x10080] =	vst v63  }
0xc6: {  	s19 =	simm.s32 $0xE080  }
0xc7: {  	[tilespmem:s19], [sflag:$0x1] =	stream.indirect_vreg.gather [hbm4b:s3+s2], $0x80, v3, vm0, $0xb8;
	[tilespmem:$0x10080] =	vst v63  }
0xc8: {  	s19 =	simm.s32 $0xE880  }
0xc9: {  	[tilespmem:s19], [sflag:$0x1] =	stream.indirect_vreg.gather [hbm4b:s4+s2], $0x80, v3, vm0, $0xb8;
	[tilespmem:$0x10080] =	vst v63  }
0xca: {  	s19 =	simm.s32 $0xF080  }
0xcb: {  	[tilespmem:s19], [sflag:$0x1] =	stream.indirect_vreg.gather [hbm4b:s5+s2], $0x80, v3, vm0, $0xb8;
	[tilespmem:$0x10080] =	vst v63  }
0xcc: {  	s19 =	simm.s32 $0xF880  }
0xcd: {  	[tilespmem:s19], [sflag:$0x1] =	stream.indirect_vreg.gather [hbm4b:s6+s2], $0x80, v3, vm0, $0xb8;
	[tilespmem:$0x10080] =	vst v63  }
0xce: {  	_ =	swait.ge [sflag:s18], $0x10000  }
0xcf: {  	p0 =	sne.s32 s7, $0x1;
	[sflag:s18] =	ssyncset.done $0x0  }
.Ltmp0:
0xd0: {  	s1 =	rddreg [dreg:$0x5];
	[sflag:s18] =	ssyncadd.s32 $0xFFFF0000;
	(pc) =	sbr.rel @p0 .LBB2_1-.Ltmp0, $4  }
0xd1: {  	[hbm4b:s1+s2] =	stream.linear.scatter [tilespmem:s0], [sflag:$0x2], $0x10000, $0x38;
	[tilespmem:$0x10080] =	vst v63  }
0xd2: {  	_ =	swait.ge [sflag:s8], $0x10000  }
0xd3: {  	[sflag:s8] =	ssyncset.done $0x0  }
0xd4: {  	s7 =	sadd.s32 $0xFFFFFFFF, s7;
	[sflag:s8] =	ssyncadd.s32 $0xFFFF0000  }
0xd5: {  	_ =	sfence.sel $0x180000  }
0xd6: {  	[bflag:$0x0] =	sbarrier.arrive $0xFFFF  }
0xd7: {  	_ =	strace $0x90000050  }
0xd8: {  	s0 =	stileid.u32;
	[bflag:$0x2] =	sbarrier.arrive $0xFFFF  }
0xd9: {  	p0 =	sne.s32 s0, $0x0;
	s0 =	rddreg [dreg:$0x1]  }
0xda: {  	s0 =	sadd.s32 @!p0 $0x100000, s0  }
0xdb: {  	[sflag:s0] =	ssyncadd.tile.s32 @!p0 $0x1;
	_ =	shalt  }
.Lfunc_end2:
_tile_overlayer_lowered:
.L_overlay_start_2:
0xdc: {  	(tag) =	ssettag $0x2  }
0xdd: {  	s0 =	rddreg [dreg:$0x0];
	s2 =	stileid.u32  }
0xde: {  	s1 =	rddreg [dreg:$0x1];
	p0 =	sne.s32 s2, $0x0  }
0xdf: {  	s3 =	rddreg [dreg:$0x2];
	[bflag:$0x3] =	sbarrier.arrive $0xFFFF;
	s2 =	simm.s32 @!p0 $0x1C02  }
0xe0: {  	[timem:s3], [sflag:s2] =	dma.local @!p0 [hbm:s0], s1  }
0xe1: {  	s0 =	simm.s32 @!p0 $0x2  }
0xe2: {  	_ =	swait.ge @!p0 [sflag:s0], s1  }
0xe3: {  	s1 =	ssub.s32 @!p0 $0x0, s1;
	[sflag:s0] =	ssyncset.done @!p0 $0x0  }
0xe4: {  	[sflag:s0] =	ssyncadd.s32 @!p0 s1  }
0xe5: {  	[bflag:$0x3] =	sbarrier.arrive $0xFFFF  }
0xe6: {  	_ =	shalt  }

// kernel: scatter_offload_async_start
scs
__scs_entry_jumppad:
0x0: {  	(pc) =	sbr.rel $0x88, $3  }
0x1: {  	(tag) =	ssettag $0x0;
	lr =	simm.s32 $0x1  }
0x2: {  	[smem:$0x3F9D] =	sst lr;
	_ =	strace $0xD0000000  }
0x3: {  	_ = 	snop  }
0x4: {  	_ = 	snop  }
0x5: {  	_ = 	snop  }
0x6: {  	_ = 	snop  }
0x7: {  	_ = 	snop  }
__scs_overlays_trampoline_lowered:
0x8: {  	[smem:$0x3FAC] =	sst s0  }
0x9: {  	[smem:$0x3FAD] =	sst s1  }
0xa: {  	[smem:$0x3FAE] =	sst s2  }
0xb: {  	[smem:$0x3FAF] =	sst s3  }
0xc: {  	[smem:$0x3FB0] =	sst s4  }
0xd: {  	[smem:$0x3FB1] =	sst s5  }
0xe: {  	[smem:$0x3FB2] =	sst s6  }
0xf: {  	[smem:$0x3FB3] =	sst s7  }
0x10: {  	[smem:$0x3FB4] =	sst s8  }
0x11: {  	[smem:$0x3FB5] =	sst s9;
	s0 =	simm.s32 @!p0 $0x0  }
0x12: {  	s1 =	sld [smem:$0x3F9B];
	s0 =	simm.s32 @p0 $0x1  }
0x13: {  	[smem:$0x3FB6] =	sst s0;
	s0 =	simm.s32 @!p1 $0x0  }
0x14: {  	s2 =	sld [smem:$0x3F9A];
	s0 =	simm.s32 @p1 $0x1  }
0x15: {  	[smem:$0x3FB7] =	sst s0;
	s0 =	simm.s32 @!p2 $0x0  }
0x16: {  	s3 =	sld [smem:$0x3FDB];
	s0 =	simm.s32 @p2 $0x1  }
0x17: {  	s4 =	simm.s32 $0x1BF5;
	[smem:$0x3FB9] =	sst s0  }
0x18: {  	s0 =	sld [smem:$0x3F9C];
	_ =	swait.ge [sflag:s4], $0x0  }
0x19: {  	s7 =	sld [smem:$0x3F9D]  }
0x1a: {  	s8 =	sadd.s32 $0xFFFFE003, lr  }
0x1b: {  	s9 =	sadd.s32 $0xFFFFFEF7, lr;
	s5 =	simm.s32 $0xFFFFFFFF;
	p2 =	slt.u32 s8, $0xFFFFF086  }
0x1c: {  	p1 =	slt.u32 s9, $0xF7A;
	s5 =	simm.s32 @!p2 $0x0  }
0x1d: {  	s5 =	simm.s32 @p1 $0x1;
	p0 =	seq.s32 s7, s2  }
0x1e: {  	s7 =	smul.u32 @!p0 $0xF7A, s2;
	p2 =	seq.s32 @!p0 s5, $0x0  }
0x1f: {  	s9 =	smul.u32 $0xF7A, s1;
	s8 =	simm.s32 @!p0 $0x1BF5;
	p2 =	por !p2, p0  }
0x20: {  	[sflag:s8] =	ssyncset.s32 @!p0 $0xFFFFF086;
	s6 =	sadd.s32 @!p0 s3, s7;
	s7 =	simm.s32 @!p0 $0x108  }
0x21: {  	s3 =	sadd.s32 s3, s9;
	s6 =	sadd.s32 @!p0 $0x88, s6;
	s7 =	simm.s32 @p2 $0x1082  }
0x22: {  	[simem:s7], [sflag:s8] =	dma.local @!p0 [hbm:s6], $0xF7A  }
0x23: {  	s9 =	sor.u32 $0xD0000000, s2;
	s6 =	simm.s32 $0x108;
	_ =	swait.ge @!p0 [sflag:s8], $0x0  }
0x24: {  	s3 =	sadd.s32 $0x88, s3;
	s6 =	simm.s32 @!p1 $0x1082;
	[sflag:s4] =	ssyncset.s32 $0xFFFFF086  }
0x25: {  	[simem:s6], [sflag:s4] =	dma.local [hbm:s3], $0xF7A  }
0x26: {  	[smem:$0x3F9D] =	sst s1;
	(tag) =	ssettag s2;
	_ =	strace s9  }
0x27: {  	s1 =	sld [smem:$0x3FAD]  }
0x28: {  	s2 =	sld [smem:$0x3FAE]  }
0x29: {  	s4 =	sld [smem:$0x3FB0]  }
0x2a: {  	p0 =	seq.s32 s5, $0x0;
	s5 =	sld [smem:$0x3FB1]  }
0x2b: {  	s6 =	sld [smem:$0x3FB2]  }
0x2c: {  	s7 =	sld [smem:$0x3FB3]  }
0x2d: {  	s3 =	simm.s32 $0x108;
	s8 =	sld [smem:$0x3FB4]  }
0x2e: {  	s3 =	simm.s32 @!p0 $0x1082;
	s9 =	sld [smem:$0x3FB5]  }
0x2f: {  	lr =	sadd.s32 s0, s3;
	s0 =	sld [smem:$0x3FAC]  }
0x30: {  	s3 =	sld [smem:$0x3FAF]  }
0x31: {  	[smem:$0x3FB8] =	sst s10  }
0x32: {  	s10 =	sld [smem:$0x3FB6];
	_ =	sdelay $0x3  }
0x33: {  	p0 =	seq.s32 s10, $0x1;
	s10 =	sld [smem:$0x3FB8];
	_ =	sdelay $0x3  }
0x34: {  	[smem:$0x3FB8] =	sst s10  }
0x35: {  	s10 =	sld [smem:$0x3FB7];
	_ =	sdelay $0x3  }
0x36: {  	p1 =	seq.s32 s10, $0x1;
	s10 =	sld [smem:$0x3FB8];
	_ =	sdelay $0x3  }
0x37: {  	[smem:$0x3FB8] =	sst s10  }
0x38: {  	s10 =	sld [smem:$0x3FB9]  }
0x39: {  	_ = 	snop;
	(pc) =	sbr.ind lr, $3  }
0x3a: {  	_ = 	snop  }
0x3b: {  	_ = 	snop  }
0x3c: {  	p2 =	seq.s32 s10, $0x1;
	s10 =	sld [smem:$0x3FB8]  }
0x3d: {  	_ =	shalt  }
0x3e: {  	_ =	shalt  }
0x3f: {  	_ =	shalt  }
0x40: {  	_ =	shalt  }
0x41: {  	_ =	shalt  }
0x42: {  	_ =	shalt  }
0x43: {  	_ =	shalt  }
0x44: {  	_ =	shalt  }
0x45: {  	_ =	shalt  }
0x46: {  	_ =	shalt  }
0x47: {  	_ =	shalt  }
0x48: {  	_ =	shalt  }
0x49: {  	_ =	shalt  }
0x4a: {  	_ =	shalt  }
0x4b: {  	_ =	shalt  }
0x4c: {  	_ =	shalt  }
0x4d: {  	_ =	shalt  }
0x4e: {  	_ =	shalt  }
0x4f: {  	_ =	shalt  }
0x50: {  	_ =	shalt  }
0x51: {  	_ =	shalt  }
0x52: {  	_ =	shalt  }
0x53: {  	_ =	shalt  }
0x54: {  	_ =	shalt  }
0x55: {  	_ =	shalt  }
0x56: {  	_ =	shalt  }
0x57: {  	_ =	shalt  }
0x58: {  	_ =	shalt  }
0x59: {  	_ =	shalt  }
0x5a: {  	_ =	shalt  }
0x5b: {  	_ =	shalt  }
0x5c: {  	_ =	shalt  }
0x5d: {  	_ =	shalt  }
0x5e: {  	_ =	shalt  }
0x5f: {  	_ =	shalt  }
0x60: {  	_ =	shalt  }
0x61: {  	_ =	shalt  }
0x62: {  	_ =	shalt  }
0x63: {  	_ =	shalt  }
0x64: {  	_ =	shalt  }
0x65: {  	_ =	shalt  }
0x66: {  	_ =	shalt  }
0x67: {  	_ =	shalt  }
0x68: {  	_ =	shalt  }
0x69: {  	_ =	shalt  }
0x6a: {  	_ =	shalt  }
0x6b: {  	_ =	shalt  }
0x6c: {  	_ =	shalt  }
0x6d: {  	_ =	shalt  }
0x6e: {  	_ =	shalt  }
0x6f: {  	_ =	shalt  }
0x70: {  	_ =	shalt  }
0x71: {  	_ =	shalt  }
0x72: {  	_ =	shalt  }
0x73: {  	_ =	shalt  }
0x74: {  	_ =	shalt  }
0x75: {  	_ =	shalt  }
0x76: {  	_ =	shalt  }
0x77: {  	_ =	shalt  }
0x78: {  	_ =	shalt  }
0x79: {  	_ =	shalt  }
0x7a: {  	_ =	shalt  }
0x7b: {  	_ =	shalt  }
0x7c: {  	_ =	shalt  }
0x7d: {  	_ =	shalt  }
0x7e: {  	_ =	shalt  }
0x7f: {  	_ =	shalt  }
0x80: {  	_ =	shalt  }
0x81: {  	_ =	shalt  }
0x82: {  	_ =	shalt  }
0x83: {  	_ =	shalt  }
0x84: {  	_ =	shalt  }
0x85: {  	_ =	shalt  }
0x86: {  	_ =	shalt  }
0x87: {  	_ =	shalt  }
.Lfunc_end0:
.L_simem_size_0:
called_computation_lowered:
.L_overlay_start_0:
0x88: {  	s0 =	sld [smem:$0x3FD9]  }
0x89: {  	s1 =	sld [smem:$0x3FFE];
	_ =	sdelay $0x3  }
0x8a: {  	s0 =	sadd.s32 s1, s0  }
0x8b: {  	[smem:$0x3FC4] =	sst s0  }
0x8c: {  	_ = 	snop  }
0x8d: {  	s0 =	sld [smem:$0x3FD0];
	(tm) =	ssettm $0x1  }
0x8e: {  	s16 =	sld [smem:$0x3FFB];
	_ =	sdelay $0x3  }
0x8f: {  	_ =	strace s16  }
0x90: {  	s1 =	sld [smem:$0x3FFC];
	_ =	sdelay $0x3  }
0x91: {  	_ =	strace s1  }
0x92: {  	s1 =	sld [smem:$0x3FFD];
	_ =	sdelay $0x3  }
0x93: {  	_ =	strace s1  }
0x94: {  	_ =	strace $0x8FFFFFFF  }
0x95: {  	s17 =	sld [smem:$0x3FDB];
	_ =	sdelay $0x1  }
0x96: {  	s2 =	simm.s32 $_scs_section_size  }
0x97: {  	s3 =	simm.s32 $_size__tile_overlayer_lowered;
	s4 =	simm.s32 $_tile_overlayer_lowered  }
0x98: {  	s20 =	simm.s32 $0x1BFF;
	s19 =	sshll.u32 s4, $0x1;
	s1 =	sadd.s32 s2, s17  }
0x99: {  	s5 =	simm.s32 $0x0;
	s18 =	sshll.u32 s3, $0x1;
	s3 =	sadd.s32 s19, s1  }
0x9a: {  	[timem:s5], [sflag:s20] =	dma.local [hbm:s3], s18  }
0x9b: {  	_ =	swait.ge [sflag:s20], s18  }
0x9c: {  	s2 =	ssub.s32 $0x0, s18;
	[sflag:s20] =	ssyncset.done $0x0  }
0x9d: {  	[sflag:s20] =	ssyncadd.s32 s2;
	_ =	sdelay $0x1  }
0x9e: {  	s21 =	simm.s32 $0x1B8B  }
0x9f: {  	_ =	swait.ge [sflag:s21], $0x1  }
0xa0: {  	[sflag:s21] =	ssyncset.done $0x0  }
0xa1: {  	s23 =	simm.s32 $0x1B8E;
	s22 =	sld [smem:$0x3FFE];
	[sflag:s21] =	ssyncadd.s32 $0xFFFFFFFF  }
0xa2: {  	s24 =	simm.s32 $execute0_lowered;
	[smem:$0x3FD2] =	sst s23  }
0xa3: {  	s3 =	sshll.u32 s24, $0x1;
	_ =	strace $0x80000046;
	[dreg:$0x1] =	wrdreg $0xFFFFFFFF  }
0xa4: {  	s25 =	simm.s32 $_size_execute0_lowered;
	s1 =	sadd.s32 s1, s3;
	[dreg:$0x0] =	wrdreg $0x0  }
0xa5: {  	s3 =	sshll.u32 s25, $0x1;
	[dreg:$0x2] =	wrdreg s1  }
0xa6: {  	[dreg:$0x3] =	wrdreg s3  }
0xa7: {  	[dreg:$0x4] =	wrdreg $0xC0  }
0xa8: {  	_ =	task [dreg:s5], $0x5FFFF  }
0xa9: {  	[dreg:$0x1] =	wrdreg $0xFFFFFFFF  }
0xaa: {  	[dreg:$0x0] =	wrdreg $0x60  }
0xab: {  	[dreg:$0x2] =	wrdreg s22  }
0xac: {  	[dreg:$0x3] =	wrdreg s0  }
0xad: {  	[dreg:$0x4] =	wrdreg $0x9  }
0xae: {  	_ =	task.clear_ibuf [dreg:s5], $0x5FFFF;
	_ =	strace $0x90000046  }
0xaf: {  	s26 =	simm.s32 $0x9;
	_ =	strace $0x80000048  }
0xb0: {  	_ =	swait.ge [sflag:s26], $0x1  }
0xb1: {  	[sflag:s26] =	ssyncadd.s32 $0xFFFFFFFF  }
0xb2: {  	_ =	strace $0x90000048  }
0xb3: {  	_ =	sfence  }
0xb4: {  	s28 =	sld [smem:$0x0];
	_ =	sdelay $0x1  }
0xb5: {  	s29 =	srdreg.scid  }
0xb6: {  	s30 =	sshll.u32 s29, $0xD;
	s31 =	sshrl.u32 s29, $0x2  }
0xb7: {  	s2 =	sand.u32 $0x4000, s30;
	s1 =	sand.u32 $0x1, s29;
	s0 =	sadd.s32 s31, s28  }
0xb8: {  	s1 =	sor.u32 s2, s1;
	s0 =	sshll.u32 s0, $0x11  }
0xb9: {  	s0 =	sor.u32 s0, s1  }
0xba: {  	s0 =	sadd.s32 $0x8F2B, s0  }
0xbb: {  	[sflag:s0] =	ssyncadd.remote.s32 $0x1  }
0xbc: {  	_ =	sfence.sel $0xFFFF  }
0xbd: {  	[dreg:$0x0] =	wrdreg $0xFFFFFFFF;
	(pc) =	sbr.abs _section_cstart, $3  }
0xbe: {  	[dreg:$0x1] =	wrdreg $0xFFFFFFFF  }
0xbf: {  	_ =	task.clear_ibuf [dreg:s5], $0x2FFFF;
	_ =	strace $0x9FFFFFFF  }
0xc0: {  	(tm) =	ssettm $0x7FFFFFFF  }
0xc1: {  	_ =	shalt  }
tec
execute0_lowered:
.L_overlay_start_1:
0x0: {  	(tag) =	ssettag $0x1  }
0x1: {  	s5 =	rddreg [dreg:$0x0]  }
0x2: {  	s6 =	rddreg [dreg:$0x1]  }
0x3: {  	s0 =	rddreg [dreg:$0x2];
	_ =	strace $0x80000047;
	s7 =	stileid.u32  }
0x4: {  	s3 =	simm.s32 $0x3E;
	s1 =	sadd.s32 $0x200, s5;
	p0 =	sne.s32 s7, $0x0  }
0x5: {  	[sflag:s3] =	ssyncpa.u1 $0x0;
	s4 =	simm.s32 @!p0 $0x1C3E;
	s2 =	simm.s32 @!p0 $0x0  }
0x6: {  	[spmem:s2], [sflag:s4] =	dma.local @!p0 [hbm:s1], $0x10  }
0x7: {  	s4 =	simm.s32 @!p0 $0x3E  }
0x8: {  	_ =	swait.ge @!p0 [sflag:s4], $0x10  }
0x9: {  	[sflag:s4] =	ssyncset.done @!p0 $0x0  }
0xa: {  	[sflag:s4] =	ssyncadd.s32 @!p0 $0xFFFFFFF0  }
0xb: {  	s9 =	simm.s32 $0x108;
	s8 =	sadd.s32 $0x400, s5;
	[bflag:$0x0] =	sbarrier.arrive $0xFFFF  }
0xc: {  	s7 =	sshll.u32 s7, $0x5;
	[sflag:s3] =	ssyncpa.u1 $0x1;
	s3 =	simm.s32 $0x1  }
0xd: {  	s5 =	simm.s32 $0x0;
	s4 =	simm.s32 $0x2;
	[sflag:s3] =	ssyncpa.u1 $0x0  }
0xe: {  	s6 =	sadd.s32 s6, s7;
	(ifvalue) =	ssetifvalue $0x80;
	[sflag:s4] =	ssyncpa.u1 $0x0  }
0xf: {  	[tilespmem:s9], [sflag:$0x2] =	stream.linear.gather [hbm4b:s6+s5], $0x100, $0x38;
	[tilespmem:$0x408] =	vst v63  }
0x10: {  	s23 =	simm.s32 $0x308;
	s22 =	sadd.s32 s8, s7  }
0x11: {  	[tilespmem:s23], [sflag:$0x2] =	stream.linear.gather [hbm4b:s22+s5], $0x100, $0x38;
	[tilespmem:$0x408] =	vst v63  }
0x12: {  	_ =	swait.ge [sflag:s4], $0x200  }
0x13: {  	[sflag:s4] =	ssyncset.done $0x0  }
0x14: {  	[sflag:s4] =	ssyncadd.s32 $0xFFFFFE00  }
0x15: {  	v0 =	vld.msk [tilespmem:s9+$0x0 ss:$0x1], $0xffff;
	_ =	sdelay $0x4  }
0x16: {  	v0 =	vmin.u32 v0, $0x80;
	_ =	sdelay $0x3  }
0x17: {  	vm0 =	vmmov $0xffff;
	s24 =	simm.s32 $0x118  }
0x18: {  	[spmem:s5] =	stream.indirect_vreg.scatter.add.s32 [tilespmem:s23], [sflag:$0x1], $0x1, v0, vm0, $0x4038;
	[tilespmem:$0x408] =	vst v63  }
0x19: {  	v0 =	vld.msk [tilespmem:s24+$0x0 ss:$0x1], $0xffff;
	_ =	sdelay $0x4  }
0x1a: {  	v0 =	vmin.u32 v0, $0x80;
	_ =	sdelay $0x3  }
0x1b: {  	s25 =	simm.s32 $0x318;
	s26 =	simm.s32 $0x128  }
0x1c: {  	[spmem:s5] =	stream.indirect_vreg.scatter.add.s32 [tilespmem:s25], [sflag:$0x1], $0x1, v0, vm0, $0x4038;
	[tilespmem:$0x408] =	vst v63  }
0x1d: {  	v0 =	vld.msk [tilespmem:s26+$0x0 ss:$0x1], $0xffff;
	_ =	sdelay $0x4  }
0x1e: {  	v0 =	vmin.u32 v0, $0x80;
	_ =	sdelay $0x3  }
0x1f: {  	s28 =	simm.s32 $0x328;
	s29 =	simm.s32 $0x138  }
0x20: {  	[spmem:s5] =	stream.indirect_vreg.scatter.add.s32 [tilespmem:s28], [sflag:$0x1], $0x1, v0, vm0, $0x4038;
	[tilespmem:$0x408] =	vst v63  }
0x21: {  	v0 =	vld.msk [tilespmem:s29+$0x0 ss:$0x1], $0xffff;
	_ =	sdelay $0x4  }
0x22: {  	v0 =	vmin.u32 v0, $0x80;
	_ =	sdelay $0x3  }
0x23: {  	s30 =	simm.s32 $0x338;
	s31 =	simm.s32 $0x148  }
0x24: {  	[spmem:s5] =	stream.indirect_vreg.scatter.add.s32 [tilespmem:s30], [sflag:$0x1], $0x1, v0, vm0, $0x4038;
	[tilespmem:$0x408] =	vst v63  }
0x25: {  	v0 =	vld.msk [tilespmem:s31+$0x0 ss:$0x1], $0xffff;
	_ =	sdelay $0x4  }
0x26: {  	v0 =	vmin.u32 v0, $0x80;
	_ =	sdelay $0x3  }
0x27: {  	s7 =	simm.s32 $0x348;
	s8 =	simm.s32 $0x158  }
0x28: {  	[spmem:s5] =	stream.indirect_vreg.scatter.add.s32 [tilespmem:s7], [sflag:$0x1], $0x1, v0, vm0, $0x4038;
	[tilespmem:$0x408] =	vst v63  }
0x29: {  	v0 =	vld.msk [tilespmem:s8+$0x0 ss:$0x1], $0xffff;
	_ =	sdelay $0x4  }
0x2a: {  	v0 =	vmin.u32 v0, $0x80;
	_ =	sdelay $0x3  }
0x2b: {  	s10 =	simm.s32 $0x168;
	s9 =	simm.s32 $0x358  }
0x2c: {  	[spmem:s5] =	stream.indirect_vreg.scatter.add.s32 [tilespmem:s9], [sflag:$0x1], $0x1, v0, vm0, $0x4038;
	[tilespmem:$0x408] =	vst v63  }
0x2d: {  	v0 =	vld.msk [tilespmem:s10+$0x0 ss:$0x1], $0xffff;
	_ =	sdelay $0x4  }
0x2e: {  	v0 =	vmin.u32 v0, $0x80;
	_ =	sdelay $0x3  }
0x2f: {  	s11 =	simm.s32 $0x368;
	s12 =	simm.s32 $0x178  }
0x30: {  	[spmem:s5] =	stream.indirect_vreg.scatter.add.s32 [tilespmem:s11], [sflag:$0x1], $0x1, v0, vm0, $0x4038;
	[tilespmem:$0x408] =	vst v63  }
0x31: {  	v0 =	vld.msk [tilespmem:s12+$0x0 ss:$0x1], $0xffff;
	_ =	sdelay $0x4  }
0x32: {  	v0 =	vmin.u32 v0, $0x80;
	_ =	sdelay $0x3  }
0x33: {  	s13 =	simm.s32 $0x378;
	s14 =	simm.s32 $0x188  }
0x34: {  	[spmem:s5] =	stream.indirect_vreg.scatter.add.s32 [tilespmem:s13], [sflag:$0x1], $0x1, v0, vm0, $0x4038;
	[tilespmem:$0x408] =	vst v63  }
0x35: {  	v0 =	vld.msk [tilespmem:s14+$0x0 ss:$0x1], $0xffff;
	_ =	sdelay $0x4  }
0x36: {  	v0 =	vmin.u32 v0, $0x80;
	_ =	sdelay $0x3  }
0x37: {  	s15 =	simm.s32 $0x388;
	s16 =	simm.s32 $0x198  }
0x38: {  	[spmem:s5] =	stream.indirect_vreg.scatter.add.s32 [tilespmem:s15], [sflag:$0x1], $0x1, v0, vm0, $0x4038;
	[tilespmem:$0x408] =	vst v63  }
0x39: {  	v0 =	vld.msk [tilespmem:s16+$0x0 ss:$0x1], $0xffff;
	_ =	sdelay $0x4  }
0x3a: {  	v0 =	vmin.u32 v0, $0x80;
	_ =	sdelay $0x3  }
0x3b: {  	s17 =	simm.s32 $0x398;
	s18 =	simm.s32 $0x1A8  }
0x3c: {  	[spmem:s5] =	stream.indirect_vreg.scatter.add.s32 [tilespmem:s17], [sflag:$0x1], $0x1, v0, vm0, $0x4038;
	[tilespmem:$0x408] =	vst v63  }
0x3d: {  	v0 =	vld.msk [tilespmem:s18+$0x0 ss:$0x1], $0xffff;
	_ =	sdelay $0x4  }
0x3e: {  	v0 =	vmin.u32 v0, $0x80;
	_ =	sdelay $0x3  }
0x3f: {  	s19 =	simm.s32 $0x3A8;
	s20 =	simm.s32 $0x1B8  }
0x40: {  	[spmem:s5] =	stream.indirect_vreg.scatter.add.s32 [tilespmem:s19], [sflag:$0x1], $0x1, v0, vm0, $0x4038;
	[tilespmem:$0x408] =	vst v63  }
0x41: {  	v0 =	vld.msk [tilespmem:s20+$0x0 ss:$0x1], $0xffff;
	_ =	sdelay $0x4  }
0x42: {  	v0 =	vmin.u32 v0, $0x80;
	_ =	sdelay $0x3  }
0x43: {  	s21 =	simm.s32 $0x3B8;
	s22 =	simm.s32 $0x1C8  }
0x44: {  	[spmem:s5] =	stream.indirect_vreg.scatter.add.s32 [tilespmem:s21], [sflag:$0x1], $0x1, v0, vm0, $0x4038;
	[tilespmem:$0x408] =	vst v63  }
0x45: {  	v0 =	vld.msk [tilespmem:s22+$0x0 ss:$0x1], $0xffff;
	_ =	sdelay $0x4  }
0x46: {  	v0 =	vmin.u32 v0, $0x80;
	_ =	sdelay $0x3  }
0x47: {  	s23 =	simm.s32 $0x3C8;
	s24 =	simm.s32 $0x1D8  }
0x48: {  	[spmem:s5] =	stream.indirect_vreg.scatter.add.s32 [tilespmem:s23], [sflag:$0x1], $0x1, v0, vm0, $0x4038;
	[tilespmem:$0x408] =	vst v63  }
0x49: {  	v0 =	vld.msk [tilespmem:s24+$0x0 ss:$0x1], $0xffff;
	_ =	sdelay $0x4  }
0x4a: {  	v0 =	vmin.u32 v0, $0x80;
	_ =	sdelay $0x3  }
0x4b: {  	s25 =	simm.s32 $0x3D8;
	s26 =	simm.s32 $0x1E8  }
0x4c: {  	[spmem:s5] =	stream.indirect_vreg.scatter.add.s32 [tilespmem:s25], [sflag:$0x1], $0x1, v0, vm0, $0x4038;
	[tilespmem:$0x408] =	vst v63  }
0x4d: {  	v0 =	vld.msk [tilespmem:s26+$0x0 ss:$0x1], $0xffff;
	_ =	sdelay $0x4  }
0x4e: {  	v0 =	vmin.u32 v0, $0x80;
	_ =	sdelay $0x3  }
0x4f: {  	s28 =	simm.s32 $0x3E8;
	s29 =	simm.s32 $0x1F8  }
0x50: {  	[spmem:s5] =	stream.indirect_vreg.scatter.add.s32 [tilespmem:s28], [sflag:$0x1], $0x1, v0, vm0, $0x4038;
	[tilespmem:$0x408] =	vst v63  }
0x51: {  	v0 =	vld.msk [tilespmem:s29+$0x0 ss:$0x1], $0xffff;
	_ =	sdelay $0x4  }
0x52: {  	v0 =	vmin.u32 v0, $0x80;
	_ =	sdelay $0x3  }
0x53: {  	s30 =	simm.s32 $0x3F8  }
0x54: {  	[spmem:s5] =	stream.indirect_vreg.scatter.add.s32 [tilespmem:s30], [sflag:$0x1], $0x1, v0, vm0, $0x4038;
	[tilespmem:$0x408] =	vst v63  }
0x55: {  	_ =	swait.ge [sflag:s3], $0x100  }
0x56: {  	[sflag:s3] =	ssyncset.done $0x0  }
0x57: {  	[sflag:s3] =	ssyncadd.s32 $0xFFFFFF00  }
0x58: {  	_ =	sfence.sel $0x180000  }
0x59: {  	[bflag:$0x0] =	sbarrier.arrive $0xFFFF  }
0x5a: {  	[sflag:s4] =	ssyncpa.u1 $0x1  }
0x5b: {  	[sflag:s3] =	ssyncpa.u1 $0x1  }
0x5c: {  	_ =	sfence.stream.spmem  }
0x5d: {  	s31 =	simm.s32 $0x3D;
	[bflag:$0x0] =	sbarrier.arrive $0xFFFF  }
0x5e: {  	s3 =	simm.s32 @p0 $0x3D;
	[sflag:s31] =	ssyncpa.u1 $0x0  }
0x5f: {  	[sflag:s3] =	ssyncpa.u1 @p0 $0x1  }
0x60: {  	[bflag:$0x0] =	sbarrier.arrive @p0 $0xFFFF  }
0x61: {  	_ =	strace @p0 $0x90000047  }
0x62: {  	s3 =	simm.s32 @!p0 $0x1C3D;
	[bflag:$0x2] =	sbarrier.arrive @p0 $0xFFFF  }
0x63: {  	[hbm:s1], [sflag:s3] =	dma.local @!p0 [spmem:s2], $0x10  }
0x64: {  	s1 =	simm.s32 @!p0 $0x3D  }
0x65: {  	_ =	swait.ge @!p0 [sflag:s1], $0x10  }
0x66: {  	[sflag:s1] =	ssyncset.done @!p0 $0x0  }
0x67: {  	[sflag:s1] =	ssyncadd.s32 @!p0 $0xFFFFFFF0  }
0x68: {  	[sflag:s1] =	ssyncpa.u1 @!p0 $0x1  }
0x69: {  	[bflag:$0x0] =	sbarrier.arrive @!p0 $0xFFFF  }
0x6a: {  	_ =	strace @!p0 $0x90000047  }
0x6b: {  	s0 =	sadd.s32 @!p0 $0x100000, s0;
	[bflag:$0x2] =	sbarrier.arrive @!p0 $0xFFFF  }
0x6c: {  	[sflag:s0] =	ssyncadd.tile.s32 @!p0 $0x1;
	_ =	shalt  }
.Lfunc_end2:
_tile_overlayer_lowered:
.L_overlay_start_2:
0x6d: {  	(tag) =	ssettag $0x2  }
0x6e: {  	s0 =	rddreg [dreg:$0x0];
	s2 =	stileid.u32  }
0x6f: {  	s1 =	rddreg [dreg:$0x1];
	p0 =	sne.s32 s2, $0x0  }
0x70: {  	s3 =	rddreg [dreg:$0x2];
	[bflag:$0x3] =	sbarrier.arrive $0xFFFF;
	s2 =	simm.s32 @!p0 $0x1C01  }
0x71: {  	[timem:s3], [sflag:s2] =	dma.local @!p0 [hbm:s0], s1  }
0x72: {  	s0 =	simm.s32 @!p0 $0x1  }
0x73: {  	_ =	swait.ge @!p0 [sflag:s0], s1  }
0x74: {  	s1 =	ssub.s32 @!p0 $0x0, s1;
	[sflag:s0] =	ssyncset.done @!p0 $0x0  }
0x75: {  	[sflag:s0] =	ssyncadd.s32 @!p0 s1  }
0x76: {  	[bflag:$0x3] =	sbarrier.arrive $0xFFFF  }
0x77: {  	_ =	shalt  }

</sc_bundles>
